<compile_context>
chip_gen: v7x
topology: tpu7x:2x2x1
jax: 0.10.2.dev20260603
libtpu: 0.0.44.dev20260713+nightly
codegen_flags: <defaults>
</compile_context>

<pallas_src>
import functools

import numpy as np
import jax
import jax.numpy as jnp
from jax import lax
from jax.experimental import pallas as pl
from jax.experimental.pallas import tpu as pltpu
from jax.experimental.pallas import tpu_sc as plsc

B = 32
L = 50
D = 64
DT = 0.25
NSTEPS = 4
N = L * B
PAD_ROWS = 3584
ROWS_PER_W = PAD_ROWS // 32

_HIGH = jax.lax.Precision.HIGHEST

_CONSTS = None


def _consts():
    global _CONSTS
    if _CONSTS is not None:
        return _CONSTS
    rng = jax.random.key(42)
    randu = jax.random.uniform(jax.random.fold_in(rng, 0), (L, L, B, D), dtype=jnp.float32)
    dWs = jnp.stack([
        jax.random.normal(jax.random.fold_in(rng, k + 1), (N, D), dtype=jnp.float32)
        * np.float32(np.sqrt(DT))
        for k in range(NSTEPS)
    ])
    r_t = jnp.transpose(randu, (1, 2, 0, 3))
    tsmask = (jnp.arange(L)[None, :] <= jnp.arange(L)[:, None]).astype(jnp.float32)
    Rm = (r_t * tsmask[:, None, :, None]).reshape(N, L * D)

    m = np.arange(N)
    rflat = randu.reshape(L * L * B, D)
    rconst2 = jnp.take(rflat, jnp.asarray((m % L) * (L * B) + (m // B) * B + (m // L)), axis=0)
    embmask = jnp.asarray(((m // B) < (m % L)).astype(np.float32)[:, None])
    n2 = B * (m // B) + m // L
    onmask2 = jnp.asarray(((m % L) == (n2 % L)).astype(np.float32)[:, None])
    a = m // B
    s = (B * a) % L
    row1 = B * np.arange(L) + (B * np.arange(L)) // L
    selhi = jnp.asarray(((s + (m % B)) >= L).astype(np.float32)[:, None])
    OH1 = np.zeros((L, N), np.float32)
    OH1[np.arange(L), row1] = 1.0
    OH2 = np.zeros((L, N), np.float32)
    ok2 = row1 + 1 < N
    OH2[np.arange(L)[ok2], (row1 + 1)[ok2]] = 1.0
    Tsuf = jnp.asarray((np.arange(L)[None, :] > np.arange(L)[:, None]).astype(np.float32))
    cmap = np.zeros((PAD_ROWS,), np.int32)
    cmap[:N] = (m % B) * L + m // B
    cmap[N:2 * N] = (m // L) * L + m // B
    _CONSTS = dict(
        Rm=Rm, dWs=dWs, rconst2=rconst2, embmask=embmask, onmask2=onmask2,
        selhi=selhi, OH1=jnp.asarray(OH1), OH2=jnp.asarray(OH2), Tsuf=Tsuf,
        cmap=jnp.asarray(cmap),
    )
    return _CONSTS


def _sc_gather(table, tok_flat, cmap):
    info = plsc.get_sparse_core_info()
    nc = info.num_cores
    mesh = plsc.VectorSubcoreMesh(core_axis_name="c", subcore_axis_name="s")

    @functools.partial(
        pl.kernel,
        mesh=mesh,
        out_type=jax.ShapeDtypeStruct((PAD_ROWS, D), jnp.float32),
        scratch_types=[
            pltpu.VMEM((N,), jnp.int32),
            pltpu.VMEM((ROWS_PER_W,), jnp.int32),
            pltpu.VMEM((ROWS_PER_W,), jnp.int32),
            pltpu.VMEM((ROWS_PER_W, D), jnp.float32),
            pltpu.SemaphoreType.DMA,
        ],
        compiler_params=pltpu.CompilerParams(
            use_tc_tiling_on_sc=False, needs_layout_passes=False),
    )
    def gk(table_hbm, tok_hbm, cmap_hbm, out_hbm, tok_v, map_v, idx_v, rows_v, sem):
        wid = lax.axis_index("s") * nc + lax.axis_index("c")
        base = wid * ROWS_PER_W
        pltpu.sync_copy(tok_hbm, tok_v)
        pltpu.sync_copy(cmap_hbm.at[pl.ds(base, ROWS_PER_W)], map_v)
        for j in range(ROWS_PER_W // 16):
            ids = map_v[pl.ds(16 * j, 16)]
            idx_v[pl.ds(16 * j, 16)] = plsc.load_gather(tok_v, [ids])
        pltpu.async_copy(table_hbm.at[idx_v], rows_v, sem).wait()
        pltpu.sync_copy(rows_v, out_hbm.at[pl.ds(base, ROWS_PER_W)])

    return gk(table, tok_flat, cmap)


def _mm_body(rm_ref, ws_ref, o_ref):
    o_ref[...] = jax.lax.dot_general(
        rm_ref[...], ws_ref[...], (((1,), (0,)), ((), ())), precision=_HIGH)


def _mm(Rm, W):
    return pl.pallas_call(
        _mm_body,
        grid=(8,),
        in_specs=[
            pl.BlockSpec((N // 8, L * D), lambda i: (i, 0)),
            pl.BlockSpec((L * D, D), lambda i: (0, 0)),
        ],
        out_specs=pl.BlockSpec((N // 8, D), lambda i: (i, 0)),
        out_shape=jax.ShapeDtypeStruct((N, D), jnp.float32),
    )(Rm, W)


def _scan_body(sr_ref, g1_ref, g2_ref, w_ref, wt_ref, bs_ref,
               dws_ref, rconst2_ref, oh1_ref, oh2_ref, tsuf_ref, embmask_ref,
               onmask2_ref, selhi_ref, diag_ref, sl_ref, ql_ref):
    g1 = g1_ref[...]
    g2 = g2_ref[...]
    Wb = w_ref[...]
    wt = wt_ref[...]
    embmask = embmask_ref[...]
    onmask2 = onmask2_ref[...]
    selhi = selhi_ref[...]
    OH1 = oh1_ref[...]
    OH2 = oh2_ref[...]

    WC = jax.lax.dot_general(
        tsuf_ref[...], Wb, (((1,), (0,)), ((), ())), precision=_HIGH)
    E = jax.lax.dot_general(
        g1.reshape(L, B, D), WC, (((2,), (1,)), ((0,), (0,))),
        precision=_HIGH).reshape(N, D)
    score = sr_ref[...] + E + bs_ref[...]
    base2 = embmask * g2 + (1.0 - embmask) * rconst2_ref[...]

    step_loss = jnp.float32(0.0)
    cumg = jnp.zeros((N, D), jnp.float32)
    for k in range(NSTEPS):
        diag_k = base2 + onmask2 * cumg
        A = g1 - diag_k - score
        step_loss = step_loss + jnp.sum(A * A)
        nrm = jnp.sqrt(jnp.sum(score * score))
        dx = score * DT + nrm * dws_ref[k]
        dxr1 = jax.lax.dot_general(OH1, dx, (((1,), (0,)), ((), ())), precision=_HIGH)
        dxr2 = jax.lax.dot_general(OH2, dx, (((1,), (0,)), ((), ())), precision=_HIGH)
        dxr1b = jnp.broadcast_to(dxr1[:, None, :], (L, B, D)).reshape(N, D)
        dxr2b = jnp.broadcast_to(dxr2[:, None, :], (L, B, D)).reshape(N, D)
        cumg = cumg + jnp.where(selhi > 0, dxr2b, dxr1b)
        if k < NSTEPS - 1:
            P = jax.lax.dot_general(
                dx.reshape(B, L, D), Wb, (((2,), (1,)), ((1,), (0,))),
                precision=_HIGH)
            score = score + jnp.swapaxes(P, 0, 1).reshape(N, D) + DT * wt

    diag4 = base2 + onmask2 * cumg
    diag_ref[...] = diag4
    sl_ref[...] = (step_loss / D).reshape(1, 1)
    ql_ref[...] = jnp.mean(jnp.abs(g1 - diag4)).reshape(1, 1)


def _scan(sr, g, W, wt, bs, dWs, c):
    return pl.pallas_call(
        _scan_body,
        grid=(1,),
        in_specs=[
            pl.BlockSpec((N, D), lambda i: (0, 0)),
            pl.BlockSpec((N, D), lambda i: (0, 0)),
            pl.BlockSpec((N, D), lambda i: (1, 0)),
            pl.BlockSpec((L, D, D), lambda i: (0, 0, 0)),
            pl.BlockSpec((1, D), lambda i: (0, 0)),
            pl.BlockSpec((1, D), lambda i: (0, 0)),
            pl.BlockSpec((NSTEPS, N, D), lambda i: (0, 0, 0)),
            pl.BlockSpec((N, D), lambda i: (0, 0)),
            pl.BlockSpec((L, N), lambda i: (0, 0)),
            pl.BlockSpec((L, N), lambda i: (0, 0)),
            pl.BlockSpec((L, L), lambda i: (0, 0)),
            pl.BlockSpec((N, 1), lambda i: (0, 0)),
            pl.BlockSpec((N, 1), lambda i: (0, 0)),
            pl.BlockSpec((N, 1), lambda i: (0, 0)),
        ],
        out_specs=(
            pl.BlockSpec((N, D), lambda i: (0, 0)),
            pl.BlockSpec((1, 1), lambda i: (0, 0)),
            pl.BlockSpec((1, 1), lambda i: (0, 0)),
        ),
        out_shape=(
            jax.ShapeDtypeStruct((N, D), jnp.float32),
            jax.ShapeDtypeStruct((1, 1), jnp.float32),
            jax.ShapeDtypeStruct((1, 1), jnp.float32),
        ),
    )(sr, g, g, W, wt, bs, dWs, c["rconst2"], c["OH1"], c["OH2"],
      c["Tsuf"], c["embmask"], c["onmask2"], c["selhi"])


def kernel(tokens, emb_table, Ws, bs):
    c = _consts()
    tok_flat = tokens.reshape(-1).astype(jnp.int32)
    g = _sc_gather(emb_table, tok_flat, c["cmap"])
    sr = _mm(c["Rm"], Ws[:L * D])
    diag4, sl, ql = _scan(sr, g, Ws[:L * D].reshape(L, D, D),
                          Ws[L * D:L * D + 1], bs.reshape(1, D), c["dWs"], c)
    xt_out = jnp.swapaxes(diag4.reshape(L, B, D), 0, 1)
    return xt_out, sl[0, 0], ql[0, 0]

# --- scband reference (transcript-rebuilt; emitter-appended) ---
"""Pipeline reference for scband-vibes-317827580315 (READ-ONLY COPY).

The authoritative reference and input builder live on the scoring server;
editing this copy changes nothing except your own understanding.
"""

import jax, jax.numpy as jnp
import numpy as np

B = 32
L = 50
D = 64
VOCAB = 100000
DT = 0.25
NSTEPS = int(round(1.0 / DT))


def setup_inputs(seed: int = 0):
    key = jax.random.key(seed)
    k1, k2, k3 = jax.random.split(key, 3)
    tokens = jax.random.randint(k1, (B, L), 0, VOCAB)
    emb_table = jax.random.normal(k2, (VOCAB, D), dtype=jnp.float32) * 0.02
    Ws = jax.random.normal(k3, (L * D + 1, D), dtype=jnp.float32) * 0.01
    bs = jnp.zeros((D,), dtype=jnp.float32)
    return {"tokens": tokens, "emb_table": emb_table, "Ws": Ws, "bs": bs}


def _score_fn(xt, t, Ws, bs):
    # stand-in for the external score_model: [x (N,L,D), t (N,1)] -> (N, D)
    x = xt.reshape(xt.shape[0], -1)
    x = jnp.concatenate([x, t], axis=1)
    return x @ Ws + bs


def _masking(emb_tr, include, rand=None):
    idx = jnp.arange(L)
    ts = jnp.arange(L)[:, None]
    if include:
        m = (idx < ts).astype(jnp.float32)
    else:
        m = (idx <= ts).astype(jnp.float32)
    m = m[:, :, None, None]
    e = jnp.broadcast_to(emb_tr[None], (L, L, B, D))
    if rand is not None:
        return e * m + rand * (1.0 - m)
    return e * m


def _diag(x4):
    r = jnp.arange(L)
    return x4[r, r]


def _forward(tokens, emb_table, Ws, bs):
    rng = jax.random.key(42)
    embeddings = jnp.take(emb_table, tokens, axis=0)  # (B, L, D) gather
    emb_tr = jnp.transpose(embeddings, (1, 0, 2))
    randu = jax.random.uniform(jax.random.fold_in(rng, 0), (L, L, B, D), dtype=jnp.float32)
    masked = _masking(emb_tr, include=True, rand=randu)
    score_input = jnp.transpose(masked.reshape(L, L * B, D), (1, 0, 2))  # (L*B, L, D)
    labels = _diag(_masking(emb_tr, include=False))  # (L, B, D)
    labels2 = labels.reshape(B, L, D)
    error0 = jnp.zeros((B, L), dtype=jnp.float32)
    steps = jnp.arange(0.0, 1.0, DT, dtype=jnp.float32)

    def step_fn(carry, xs):
        xt, err = carry
        t, i = xs
        tvec = jnp.full((B * L, 1), t, dtype=jnp.float32)
        score = _score_fn(xt, tvec, Ws, bs)  # (L*B, D)
        score2 = score.reshape(B, L, D)
        xt2 = _diag(xt.reshape(L, L, B, D)).reshape(B, L, D)
        diff = labels2 - xt2
        err = err + jnp.mean((diff - score2) ** 2, axis=-1)
        score_norm = jnp.linalg.norm(score)
        dW = jax.random.normal(jax.random.fold_in(rng, i + 1), (L * B, D), dtype=jnp.float32) * jnp.sqrt(DT)
        dx = score * DT + score_norm * dW
        xtT = jnp.transpose(xt, (1, 0, 2))  # (L, L*B, D)

        def upd(xi, ii):
            idxs = jnp.arange(B) * L + ii
            return xi.at[idxs].add(dx[idxs])  # scatter-add (tensor_scatter_nd_add)

        xtT_upd = jax.vmap(upd)(xtT, jnp.arange(L))
        xt_new = jnp.transpose(xtT_upd, (1, 0, 2))
        return (xt_new, err), None

    (xt_fin, error), _ = jax.lax.scan(step_fn, (score_input, error0), (steps, jnp.arange(NSTEPS)))
    xt_out = jnp.transpose(_diag(xt_fin.reshape(L, L, B, D)), (1, 0, 2))  # (B, L, D)
    step_loss = jnp.sum(error)
    sequence_loss = jnp.mean(jnp.abs(embeddings - xt_out))
    return (xt_out, step_loss, sequence_loss)


def reference(tokens, emb_table, Ws, bs):
    return _forward(tokens, emb_table, Ws, bs)

if __name__ == "__main__":
    import jax
    _d = setup_inputs()
    print(jax.jit(kernel)(*tuple(_d.values())))

</pallas_src>

<mosaic_0001>
#map = affine_map<(d0, d1) -> (0, 0)>
#map1 = affine_map<(d0, d1) -> (0)>
module attributes {stable_mosaic.version = 14 : i64} {
  func.func @gk(%arg0: i32, %arg1: i32, %arg2: memref<100000x64xf32, #tpu.memory_space<hbm>>, %arg3: memref<1600xi32, #tpu.memory_space<hbm>>, %arg4: memref<3584xi32, #tpu.memory_space<hbm>>, %arg5: memref<3584x64xf32, #tpu.memory_space<hbm>>, %arg6: memref<1600xi32, #tpu.memory_space<vmem>>, %arg7: memref<112xi32, #tpu.memory_space<vmem>>, %arg8: memref<112xi32, #tpu.memory_space<vmem>>, %arg9: memref<112x64xf32, #tpu.memory_space<vmem>>, %arg10: memref<!tpu.dma_semaphore, #tpu.memory_space<semaphore_mem>>) attributes {dimension_semantics = [#tpu.dimension_semantics<core_parallel>, #tpu.dimension_semantics<subcore_parallel>], iteration_bounds = array<i64: 2, 16>, scalar_prefetch = 0 : i64, scratch_operands = 5 : i64, tpu.core_type = #tpu.core_type<sc_vector_subcore>, window_params = [{transform_indices = #map}, {transform_indices = #map1}, {transform_indices = #map1}, {transform_indices = #map}]} {
    %mul3A = arith.constant 2 : i32
    %mul3A_0 = arith.muli %arg1, %mul3A : i32
    %add3A = arith.addi %mul3A_0, %arg0 : i32
    %mul3A_1 = arith.constant 112 : i32
    %mul3A_2 = arith.muli %add3A, %mul3A_1 : i32
    "tpu.region"() ({
      %run_scoped3A = tpu.sem_alloc : memref<!tpu.dma_semaphore, #tpu.memory_space<semaphore_mem>>
      tpu.enqueue_dma source(%arg3 : memref<1600xi32, #tpu.memory_space<hbm>>) target(%arg6 : memref<1600xi32, #tpu.memory_space<vmem>>) target_semaphore(%run_scoped3A : memref<!tpu.dma_semaphore, #tpu.memory_space<semaphore_mem>>)
      tpu.wait_dma2 semaphore(%run_scoped3A : memref<!tpu.dma_semaphore, #tpu.memory_space<semaphore_mem>>) src(%arg3 : memref<1600xi32, #tpu.memory_space<hbm>>) dst(%arg6 : memref<1600xi32, #tpu.memory_space<vmem>>)
      tpu.yield
    }) : () -> ()
    "tpu.region"() ({
      %run_scoped3A = tpu.sem_alloc : memref<!tpu.dma_semaphore, #tpu.memory_space<semaphore_mem>>
      %dma_start3A_39 = tpu.memref_slice %arg4[%mul3A_2] : memref<3584xi32, #tpu.memory_space<hbm>> -> memref<112xi32, #tpu.memory_space<hbm>>
      %dma_start3A_40 = tpu.memref_slice %arg4[%mul3A_2] : memref<3584xi32, #tpu.memory_space<hbm>> -> memref<112xi32, #tpu.memory_space<hbm>>
      tpu.enqueue_dma source(%dma_start3A_40 : memref<112xi32, #tpu.memory_space<hbm>>) target(%arg7 : memref<112xi32, #tpu.memory_space<vmem>>) target_semaphore(%run_scoped3A : memref<!tpu.dma_semaphore, #tpu.memory_space<semaphore_mem>>)
      %dma_wait3A_41 = tpu.memref_slice %arg4[%mul3A_2] : memref<3584xi32, #tpu.memory_space<hbm>> -> memref<112xi32, #tpu.memory_space<hbm>>
      %dma_wait3A_42 = tpu.memref_slice %arg4[%mul3A_2] : memref<3584xi32, #tpu.memory_space<hbm>> -> memref<112xi32, #tpu.memory_space<hbm>>
      tpu.wait_dma2 semaphore(%run_scoped3A : memref<!tpu.dma_semaphore, #tpu.memory_space<semaphore_mem>>) src(%dma_wait3A_42 : memref<112xi32, #tpu.memory_space<hbm>>) dst(%arg7 : memref<112xi32, #tpu.memory_space<vmem>>)
      tpu.yield
    }) : () -> ()
    %get3A = arith.constant 0 : index
    %get3A_3 = tpu.vector_load %arg7[%get3A] {strides = array<i32>} : memref<112xi32, #tpu.memory_space<vmem>>, vector<16xi32>,
    %gather3A = tpu.vector_load_idx %arg6[%get3A_3] : memref<1600xi32, #tpu.memory_space<vmem>>[vector<16xi32>], vector<16xi32>,
    %swap3A = arith.constant 0 : index
    %swap3A_4 = tpu.vector_load %arg8[%swap3A] {strides = array<i32>} : memref<112xi32, #tpu.memory_space<vmem>>, vector<16xi32>,
    tpu.vector_store %arg8[%swap3A], %gather3A {strides = array<i32>} : memref<112xi32, #tpu.memory_space<vmem>>, vector<16xi32>,
    %get3A_5 = arith.constant 16 : index
    %get3A_6 = tpu.vector_load %arg7[%get3A_5] {strides = array<i32>} : memref<112xi32, #tpu.memory_space<vmem>>, vector<16xi32>,
    %gather3A_7 = tpu.vector_load_idx %arg6[%get3A_6] : memref<1600xi32, #tpu.memory_space<vmem>>[vector<16xi32>], vector<16xi32>,
    %swap3A_8 = arith.constant 16 : index
    %swap3A_9 = tpu.vector_load %arg8[%swap3A_8] {strides = array<i32>} : memref<112xi32, #tpu.memory_space<vmem>>, vector<16xi32>,
    tpu.vector_store %arg8[%swap3A_8], %gather3A_7 {strides = array<i32>} : memref<112xi32, #tpu.memory_space<vmem>>, vector<16xi32>,
    %get3A_10 = arith.constant 32 : index
    %get3A_11 = tpu.vector_load %arg7[%get3A_10] {strides = array<i32>} : memref<112xi32, #tpu.memory_space<vmem>>, vector<16xi32>,
    %gather3A_12 = tpu.vector_load_idx %arg6[%get3A_11] : memref<1600xi32, #tpu.memory_space<vmem>>[vector<16xi32>], vector<16xi32>,
    %swap3A_13 = arith.constant 32 : index
    %swap3A_14 = tpu.vector_load %arg8[%swap3A_13] {strides = array<i32>} : memref<112xi32, #tpu.memory_space<vmem>>, vector<16xi32>,
    tpu.vector_store %arg8[%swap3A_13], %gather3A_12 {strides = array<i32>} : memref<112xi32, #tpu.memory_space<vmem>>, vector<16xi32>,
    %get3A_15 = arith.constant 48 : index
    %get3A_16 = tpu.vector_load %arg7[%get3A_15] {strides = array<i32>} : memref<112xi32, #tpu.memory_space<vmem>>, vector<16xi32>,
    %gather3A_17 = tpu.vector_load_idx %arg6[%get3A_16] : memref<1600xi32, #tpu.memory_space<vmem>>[vector<16xi32>], vector<16xi32>,
    %swap3A_18 = arith.constant 48 : index
    %swap3A_19 = tpu.vector_load %arg8[%swap3A_18] {strides = array<i32>} : memref<112xi32, #tpu.memory_space<vmem>>, vector<16xi32>,
    tpu.vector_store %arg8[%swap3A_18], %gather3A_17 {strides = array<i32>} : memref<112xi32, #tpu.memory_space<vmem>>, vector<16xi32>,
    %get3A_20 = arith.constant 64 : index
    %get3A_21 = tpu.vector_load %arg7[%get3A_20] {strides = array<i32>} : memref<112xi32, #tpu.memory_space<vmem>>, vector<16xi32>,
    %gather3A_22 = tpu.vector_load_idx %arg6[%get3A_21] : memref<1600xi32, #tpu.memory_space<vmem>>[vector<16xi32>], vector<16xi32>,
    %swap3A_23 = arith.constant 64 : index
    %swap3A_24 = tpu.vector_load %arg8[%swap3A_23] {strides = array<i32>} : memref<112xi32, #tpu.memory_space<vmem>>, vector<16xi32>,
    tpu.vector_store %arg8[%swap3A_23], %gather3A_22 {strides = array<i32>} : memref<112xi32, #tpu.memory_space<vmem>>, vector<16xi32>,
    %get3A_25 = arith.constant 80 : index
    %get3A_26 = tpu.vector_load %arg7[%get3A_25] {strides = array<i32>} : memref<112xi32, #tpu.memory_space<vmem>>, vector<16xi32>,
    %gather3A_27 = tpu.vector_load_idx %arg6[%get3A_26] : memref<1600xi32, #tpu.memory_space<vmem>>[vector<16xi32>], vector<16xi32>,
    %swap3A_28 = arith.constant 80 : index
    %swap3A_29 = tpu.vector_load %arg8[%swap3A_28] {strides = array<i32>} : memref<112xi32, #tpu.memory_space<vmem>>, vector<16xi32>,
    tpu.vector_store %arg8[%swap3A_28], %gather3A_27 {strides = array<i32>} : memref<112xi32, #tpu.memory_space<vmem>>, vector<16xi32>,
    %get3A_30 = arith.constant 96 : index
    %get3A_31 = tpu.vector_load %arg7[%get3A_30] {strides = array<i32>} : memref<112xi32, #tpu.memory_space<vmem>>, vector<16xi32>,
    %gather3A_32 = tpu.vector_load_idx %arg6[%get3A_31] : memref<1600xi32, #tpu.memory_space<vmem>>[vector<16xi32>], vector<16xi32>,
    %swap3A_33 = arith.constant 96 : index
    %swap3A_34 = tpu.vector_load %arg8[%swap3A_33] {strides = array<i32>} : memref<112xi32, #tpu.memory_space<vmem>>, vector<16xi32>,
    tpu.vector_store %arg8[%swap3A_33], %gather3A_32 {strides = array<i32>} : memref<112xi32, #tpu.memory_space<vmem>>, vector<16xi32>,
    %dma_start3A = arith.constant 0 : i32
    %dma_start3A_35 = arith.constant 0 : i32
    %dma_start3A_36 = tpu.memref_slice %arg2[%dma_start3A, %dma_start3A_35] : memref<100000x64xf32, #tpu.memory_space<hbm>> -> memref<100000x64xf32, #tpu.memory_space<hbm>>
    tpu.enqueue_indirect_dma source(%dma_start3A_36 : memref<100000x64xf32, #tpu.memory_space<hbm>>) target(%arg9 : memref<112x64xf32, #tpu.memory_space<vmem>>) offsets(%arg8 : memref<112xi32, #tpu.memory_space<vmem>>) semaphore(%arg10 : memref<!tpu.dma_semaphore, #tpu.memory_space<semaphore_mem>>)
    %dma_wait3A = arith.constant 0 : i32
    %dma_wait3A_37 = arith.constant 0 : i32
    %dma_wait3A_38 = tpu.memref_slice %arg2[%dma_wait3A, %dma_wait3A_37] : memref<100000x64xf32, #tpu.memory_space<hbm>> -> memref<100000x64xf32, #tpu.memory_space<hbm>>
    tpu.wait_indirect_dma semaphore(%arg10 : memref<!tpu.dma_semaphore, #tpu.memory_space<semaphore_mem>>) src(%dma_wait3A_38 : memref<100000x64xf32, #tpu.memory_space<hbm>>) dst(%arg9 : memref<112x64xf32, #tpu.memory_space<vmem>>)
    "tpu.region"() ({
      %run_scoped3A = tpu.sem_alloc : memref<!tpu.dma_semaphore, #tpu.memory_space<semaphore_mem>>
      %dma_start3A_39 = arith.constant 0 : i32
      %dma_start3A_40 = tpu.memref_slice %arg5[%mul3A_2, %dma_start3A_39] : memref<3584x64xf32, #tpu.memory_space<hbm>> -> memref<112x64xf32, #tpu.memory_space<hbm>>
      %dma_start3A_41 = arith.constant 0 : i32
      %dma_start3A_42 = tpu.memref_slice %arg5[%mul3A_2, %dma_start3A_41] : memref<3584x64xf32, #tpu.memory_space<hbm>> -> memref<112x64xf32, #tpu.memory_space<hbm>>
      tpu.enqueue_dma source(%arg9 : memref<112x64xf32, #tpu.memory_space<vmem>>) target(%dma_start3A_42 : memref<112x64xf32, #tpu.memory_space<hbm>>) target_semaphore(%run_scoped3A : memref<!tpu.dma_semaphore, #tpu.memory_space<semaphore_mem>>)
      %dma_wait3A_43 = arith.constant 0 : i32
      %dma_wait3A_44 = tpu.memref_slice %arg5[%mul3A_2, %dma_wait3A_43] : memref<3584x64xf32, #tpu.memory_space<hbm>> -> memref<112x64xf32, #tpu.memory_space<hbm>>
      %dma_wait3A_45 = arith.constant 0 : i32
      %dma_wait3A_46 = tpu.memref_slice %arg5[%mul3A_2, %dma_wait3A_45] : memref<3584x64xf32, #tpu.memory_space<hbm>> -> memref<112x64xf32, #tpu.memory_space<hbm>>
      tpu.wait_dma2 semaphore(%run_scoped3A : memref<!tpu.dma_semaphore, #tpu.memory_space<semaphore_mem>>) src(%arg9 : memref<112x64xf32, #tpu.memory_space<vmem>>) dst(%dma_wait3A_46 : memref<112x64xf32, #tpu.memory_space<hbm>>)
      tpu.yield
    }) : () -> ()
    return
  }
}

module attributes {stable_mosaic.version = 14 : i64} {
  func.func @_mm_body(%arg0: i32, %arg1: memref<200x3200xf32, #tpu.memory_space<vmem>>, %arg2: memref<3200x64xf32, #tpu.memory_space<vmem>>, %arg3: memref<200x64xf32, #tpu.memory_space<vmem>>) attributes {dimension_semantics = [#tpu.dimension_semantics<arbitrary>], iteration_bounds = array<i64: 8>, scalar_prefetch = 0 : i64, scratch_operands = 0 : i64, tpu.core_type = #tpu.core_type<tc>, window_params = [{transform_indices = @transform_0, window_bounds = array<i64: 200, 3200>}, {pipeline_mode = #tpu.pipeline_mode<synchronous>, transform_indices = @transform_1, window_bounds = array<i64: 3200, 64>}, {transform_indices = @transform_2, window_bounds = array<i64: 200, 64>}]} {
    %get3A = arith.constant 0 : index
    %get3A_0 = arith.constant 0 : index
    %get3A_1 = vector.load %arg1[%get3A, %get3A_0] : memref<200x3200xf32, #tpu.memory_space<vmem>>, vector<200x3200xf32>
    %get3A_2 = arith.constant 0 : index
    %get3A_3 = arith.constant 0 : index
    %get3A_4 = vector.load %arg2[%get3A_2, %get3A_3] : memref<3200x64xf32, #tpu.memory_space<vmem>>, vector<3200x64xf32>
    %dot_general3A = arith.constant dense<0.000000e+00> : vector<200x64xf32>
    %dot_general3A_5 = tpu.matmul %get3A_1, %get3A_4, %dot_general3A {dimension_numbers = #tpu.dot_dimension_numbers<[1], [0], [0], [1], [0, 0, 1, 1], [], []>, precision = #tpu.contract_precision<fp32>, transpose_lhs_hint = false} : vector<200x3200xf32>, vector<3200x64xf32>, vector<200x64xf32> -> vector<200x64xf32>
    %swap3A = arith.constant 0 : index
    %swap3A_6 = arith.constant 0 : index
    %swap3A_7 = vector.load %arg3[%swap3A, %swap3A_6] : memref<200x64xf32, #tpu.memory_space<vmem>>, vector<200x64xf32>
    tpu.vector_store %arg3[%swap3A, %swap3A_6], %dot_general3A_5 {strides = array<i32>} : memref<200x64xf32, #tpu.memory_space<vmem>>, vector<200x64xf32>,
    return
  }
  func.func @transform_0(%arg0: i32) -> (i32, i32) {
    %c0_i32 = arith.constant 0 : i32
    %c0_i32_0 = arith.constant 0 : i32
    return %arg0, %c0_i32 : i32, i32
  }
  func.func @transform_1(%arg0: i32) -> (i32, i32) {
    %c0_i32 = arith.constant 0 : i32
    %c0_i32_0 = arith.constant 0 : i32
    %c0_i32_1 = arith.constant 0 : i32
    return %c0_i32, %c0_i32_0 : i32, i32
  }
  func.func @transform_2(%arg0: i32) -> (i32, i32) {
    %c0_i32 = arith.constant 0 : i32
    %c0_i32_0 = arith.constant 0 : i32
    return %arg0, %c0_i32 : i32, i32
  }
}

module attributes {stable_mosaic.version = 14 : i64} {
  func.func @_scan_body(%arg0: i32, %arg1: memref<1600x64xf32, #tpu.memory_space<vmem>>, %arg2: memref<1600x64xf32, #tpu.memory_space<vmem>>, %arg3: memref<1600x64xf32, #tpu.memory_space<vmem>>, %arg4: memref<50x64x64xf32, #tpu.memory_space<vmem>>, %arg5: memref<1x64xf32, #tpu.memory_space<vmem>>, %arg6: memref<1x64xf32, #tpu.memory_space<vmem>>, %arg7: memref<4x1600x64xf32, #tpu.memory_space<vmem>>, %arg8: memref<1600x64xf32, #tpu.memory_space<vmem>>, %arg9: memref<50x1600xf32, #tpu.memory_space<vmem>>, %arg10: memref<50x1600xf32, #tpu.memory_space<vmem>>, %arg11: memref<50x50xf32, #tpu.memory_space<vmem>>, %arg12: memref<1600x1xf32, #tpu.memory_space<vmem>>, %arg13: memref<1600x1xf32, #tpu.memory_space<vmem>>, %arg14: memref<1600x1xf32, #tpu.memory_space<vmem>>, %arg15: memref<1600x64xf32, #tpu.memory_space<vmem>>, %arg16: memref<1x1xf32, #tpu.memory_space<vmem>>, %arg17: memref<1x1xf32, #tpu.memory_space<vmem>>) attributes {dimension_semantics = [#tpu.dimension_semantics<arbitrary>], iteration_bounds = array<i64: 1>, scalar_prefetch = 0 : i64, scratch_operands = 0 : i64, tpu.core_type = #tpu.core_type<tc>, window_params = [{pipeline_mode = #tpu.pipeline_mode<synchronous>, transform_indices = @transform_0, window_bounds = array<i64: 1600, 64>}, {transform_indices = @transform_1, window_bounds = array<i64: 1600, 64>}, {transform_indices = @transform_2, window_bounds = array<i64: 1600, 64>}, {pipeline_mode = #tpu.pipeline_mode<synchronous>, transform_indices = @transform_3, window_bounds = array<i64: 50, 64, 64>}, {pipeline_mode = #tpu.pipeline_mode<synchronous>, transform_indices = @transform_4, window_bounds = array<i64: 1, 64>}, {pipeline_mode = #tpu.pipeline_mode<synchronous>, transform_indices = @transform_5, window_bounds = array<i64: 1, 64>}, {pipeline_mode = #tpu.pipeline_mode<synchronous>, transform_indices = @transform_6, window_bounds = array<i64: 4, 1600, 64>}, {pipeline_mode = #tpu.pipeline_mode<synchronous>, transform_indices = @transform_7, window_bounds = array<i64: 1600, 64>}, {pipeline_mode = #tpu.pipeline_mode<synchronous>, transform_indices = @transform_8, window_bounds = array<i64: 50, 1600>}, {pipeline_mode = #tpu.pipeline_mode<synchronous>, transform_indices = @transform_9, window_bounds = array<i64: 50, 1600>}, {pipeline_mode = #tpu.pipeline_mode<synchronous>, transform_indices = @transform_10, window_bounds = array<i64: 50, 50>}, {pipeline_mode = #tpu.pipeline_mode<synchronous>, transform_indices = @transform_11, window_bounds = array<i64: 1600, 1>}, {pipeline_mode = #tpu.pipeline_mode<synchronous>, transform_indices = @transform_12, window_bounds = array<i64: 1600, 1>}, {pipeline_mode = #tpu.pipeline_mode<synchronous>, transform_indices = @transform_13, window_bounds = array<i64: 1600, 1>}, {pipeline_mode = #tpu.pipeline_mode<synchronous>, transform_indices = @transform_14, window_bounds = array<i64: 1600, 64>}, {pipeline_mode = #tpu.pipeline_mode<synchronous>, transform_indices = @transform_15, window_bounds = array<i64: 1, 1>}, {pipeline_mode = #tpu.pipeline_mode<synchronous>, transform_indices = @transform_16, window_bounds = array<i64: 1, 1>}]} {
    %get3A = arith.constant 0 : index
    %get3A_0 = arith.constant 0 : index
    %get3A_1 = vector.load %arg2[%get3A, %get3A_0] : memref<1600x64xf32, #tpu.memory_space<vmem>>, vector<1600x64xf32>
    %get3A_2 = arith.constant 0 : index
    %get3A_3 = arith.constant 0 : index
    %get3A_4 = vector.load %arg3[%get3A_2, %get3A_3] : memref<1600x64xf32, #tpu.memory_space<vmem>>, vector<1600x64xf32>
    %get3A_5 = arith.constant 0 : index
    %get3A_6 = arith.constant 0 : index
    %get3A_7 = arith.constant 0 : index
    %get3A_8 = vector.load %arg4[%get3A_5, %get3A_6, %get3A_7] : memref<50x64x64xf32, #tpu.memory_space<vmem>>, vector<50x64x64xf32>
    %get3A_9 = arith.constant 0 : index
    %get3A_10 = arith.constant 0 : index
    %get3A_11 = vector.load %arg5[%get3A_9, %get3A_10] : memref<1x64xf32, #tpu.memory_space<vmem>>, vector<1x64xf32>
    %get3A_12 = arith.constant 0 : index
    %get3A_13 = arith.constant 0 : index
    %get3A_14 = vector.load %arg12[%get3A_12, %get3A_13] : memref<1600x1xf32, #tpu.memory_space<vmem>>, vector<1600x1xf32>
    %get3A_15 = arith.constant 0 : index
    %get3A_16 = arith.constant 0 : index
    %get3A_17 = vector.load %arg13[%get3A_15, %get3A_16] : memref<1600x1xf32, #tpu.memory_space<vmem>>, vector<1600x1xf32>
    %get3A_18 = arith.constant 0 : index
    %get3A_19 = arith.constant 0 : index
    %get3A_20 = vector.load %arg14[%get3A_18, %get3A_19] : memref<1600x1xf32, #tpu.memory_space<vmem>>, vector<1600x1xf32>
    %get3A_21 = arith.constant 0 : index
    %get3A_22 = arith.constant 0 : index
    %get3A_23 = vector.load %arg9[%get3A_21, %get3A_22] : memref<50x1600xf32, #tpu.memory_space<vmem>>, vector<50x1600xf32>
    %get3A_24 = arith.constant 0 : index
    %get3A_25 = arith.constant 0 : index
    %get3A_26 = vector.load %arg10[%get3A_24, %get3A_25] : memref<50x1600xf32, #tpu.memory_space<vmem>>, vector<50x1600xf32>
    %get3A_27 = arith.constant 0 : index
    %get3A_28 = arith.constant 0 : index
    %get3A_29 = vector.load %arg11[%get3A_27, %get3A_28] : memref<50x50xf32, #tpu.memory_space<vmem>>, vector<50x50xf32>
    %dot_general3A = arith.constant dense<0.000000e+00> : vector<50x64x64xf32>
    %dot_general3A_30 = tpu.matmul %get3A_29, %get3A_8, %dot_general3A {dimension_numbers = #tpu.dot_dimension_numbers<[1], [0], [0], [1, 2], [0, 0, 1, 1, 1, 2], [], []>, precision = #tpu.contract_precision<fp32>, transpose_lhs_hint = false} : vector<50x50xf32>, vector<50x64x64xf32>, vector<50x64x64xf32> -> vector<50x64x64xf32>
    %reshape3A = vector.shape_cast %get3A_1 : vector<1600x64xf32> to vector<50x32x64xf32>
    %dot_general3A_31 = arith.constant dense<0.000000e+00> : vector<50x32x64xf32>
    %dot_general3A_32 = tpu.matmul %reshape3A, %dot_general3A_30, %dot_general3A_31 {dimension_numbers = #tpu.dot_dimension_numbers<[2], [1], [1], [2], [0, 0, 0, 1, 1, 2], [0], [0]>, precision = #tpu.contract_precision<fp32>, transpose_lhs_hint = false} : vector<50x32x64xf32>, vector<50x64x64xf32>, vector<50x32x64xf32> -> vector<50x32x64xf32>
    %reshape3A_33 = vector.shape_cast %dot_general3A_32 : vector<50x32x64xf32> to vector<1600x64xf32>
    %get3A_34 = arith.constant 0 : index
    %get3A_35 = arith.constant 0 : index
    %get3A_36 = vector.load %arg1[%get3A_34, %get3A_35] : memref<1600x64xf32, #tpu.memory_space<vmem>>, vector<1600x64xf32>
    %add3A = arith.addf %get3A_36, %reshape3A_33 : vector<1600x64xf32>
    %get3A_37 = arith.constant 0 : index
    %get3A_38 = arith.constant 0 : index
    %get3A_39 = vector.load %arg6[%get3A_37, %get3A_38] : memref<1x64xf32, #tpu.memory_space<vmem>>, vector<1x64xf32>
    %add3A_40 = vector.broadcast %get3A_39 : vector<1x64xf32> to vector<1600x64xf32>
    %add3A_41 = arith.addf %add3A, %add3A_40 : vector<1600x64xf32>
    %mul3A = vector.broadcast %get3A_14 : vector<1600x1xf32> to vector<1600x64xf32>
    %mul3A_42 = arith.mulf %mul3A, %get3A_4 : vector<1600x64xf32>
    %sub3A = arith.constant 1.000000e+00 : f32
    %sub3A_43 = vector.broadcast %sub3A : f32 to vector<1600x1xf32>
    %sub3A_44 = arith.subf %sub3A_43, %get3A_14 : vector<1600x1xf32>
    %get3A_45 = arith.constant 0 : index
    %get3A_46 = arith.constant 0 : index
    %get3A_47 = vector.load %arg8[%get3A_45, %get3A_46] : memref<1600x64xf32, #tpu.memory_space<vmem>>, vector<1600x64xf32>
    %mul3A_48 = vector.broadcast %sub3A_44 : vector<1600x1xf32> to vector<1600x64xf32>
    %mul3A_49 = arith.mulf %mul3A_48, %get3A_47 : vector<1600x64xf32>
    %add3A_50 = arith.addf %mul3A_42, %mul3A_49 : vector<1600x64xf32>
    %broadcast_in_dim3A = arith.constant 0.000000e+00 : f32
    %broadcast_in_dim3A_51 = vector.broadcast %broadcast_in_dim3A : f32 to vector<1600x64xf32>
    %mul3A_52 = vector.broadcast %get3A_17 : vector<1600x1xf32> to vector<1600x64xf32>
    %mul3A_53 = arith.mulf %mul3A_52, %broadcast_in_dim3A_51 : vector<1600x64xf32>
    %add3A_54 = arith.addf %add3A_50, %mul3A_53 : vector<1600x64xf32>
    %sub3A_55 = arith.subf %get3A_1, %add3A_54 : vector<1600x64xf32>
    %sub3A_56 = arith.subf %sub3A_55, %add3A_41 : vector<1600x64xf32>
    %mul3A_57 = arith.mulf %sub3A_56, %sub3A_56 : vector<1600x64xf32>
    %reduce_sum3A = vector.shape_cast %mul3A_57 : vector<1600x64xf32> to vector<1x1600x64xf32>
    %reduce_sum3A_58 = arith.constant dense<0.000000e+00> : vector<1xf32>
    %reduce_sum3A_59 = vector.multi_reduction <add>, %reduce_sum3A, %reduce_sum3A_58 [1, 2] : vector<1x1600x64xf32> to vector<1xf32>
    %reduce_sum3A_60 = vector.shape_cast %reduce_sum3A_59 : vector<1xf32> to vector<1x1x1xf32>
    %reduce_sum3A_61 = vector.extract %reduce_sum3A_60[0, 0, 0] : f32 from vector<1x1x1xf32>
    %add3A_62 = arith.constant 0.000000e+00 : f32
    %add3A_63 = arith.addf %add3A_62, %reduce_sum3A_61 : f32
    %mul3A_64 = arith.mulf %add3A_41, %add3A_41 : vector<1600x64xf32>
    %reduce_sum3A_65 = vector.shape_cast %mul3A_64 : vector<1600x64xf32> to vector<1x1600x64xf32>
    %reduce_sum3A_66 = arith.constant dense<0.000000e+00> : vector<1xf32>
    %reduce_sum3A_67 = vector.multi_reduction <add>, %reduce_sum3A_65, %reduce_sum3A_66 [1, 2] : vector<1x1600x64xf32> to vector<1xf32>
    %reduce_sum3A_68 = vector.shape_cast %reduce_sum3A_67 : vector<1xf32> to vector<1x1x1xf32>
    %reduce_sum3A_69 = vector.extract %reduce_sum3A_68[0, 0, 0] : f32 from vector<1x1x1xf32>
    %sqrt3A = math.sqrt %reduce_sum3A_69 : f32
    %mul3A_70 = arith.constant 2.500000e-01 : f32
    %mul3A_71 = vector.broadcast %mul3A_70 : f32 to vector<1600x64xf32>
    %mul3A_72 = arith.mulf %add3A_41, %mul3A_71 : vector<1600x64xf32>
    %get3A_73 = arith.constant 0 : index
    %get3A_74 = arith.constant 0 : index
    %get3A_75 = arith.constant 0 : index
    %get3A_76 = vector.load %arg7[%get3A_73, %get3A_74, %get3A_75] : memref<4x1600x64xf32, #tpu.memory_space<vmem>>, vector<1x1600x64xf32>
    %get3A_77 = vector.shape_cast %get3A_76 : vector<1x1600x64xf32> to vector<1600x64xf32>
    %mul3A_78 = vector.broadcast %sqrt3A : f32 to vector<1600x64xf32>
    %mul3A_79 = arith.mulf %mul3A_78, %get3A_77 : vector<1600x64xf32>
    %add3A_80 = arith.addf %mul3A_72, %mul3A_79 : vector<1600x64xf32>
    %dot_general3A_81 = arith.constant dense<0.000000e+00> : vector<50x64xf32>
    %dot_general3A_82 = tpu.matmul %get3A_23, %add3A_80, %dot_general3A_81 {dimension_numbers = #tpu.dot_dimension_numbers<[1], [0], [0], [1], [0, 0, 1, 1], [], []>, precision = #tpu.contract_precision<fp32>, transpose_lhs_hint = false} : vector<50x1600xf32>, vector<1600x64xf32>, vector<50x64xf32> -> vector<50x64xf32>
    %dot_general3A_83 = arith.constant dense<0.000000e+00> : vector<50x64xf32>
    %dot_general3A_84 = tpu.matmul %get3A_26, %add3A_80, %dot_general3A_83 {dimension_numbers = #tpu.dot_dimension_numbers<[1], [0], [0], [1], [0, 0, 1, 1], [], []>, precision = #tpu.contract_precision<fp32>, transpose_lhs_hint = false} : vector<50x1600xf32>, vector<1600x64xf32>, vector<50x64xf32> -> vector<50x64xf32>
    %broadcast_in_dim3A_85 = vector.shape_cast %dot_general3A_82 : vector<50x64xf32> to vector<50x1x64xf32>
    %broadcast_in_dim3A_86 = vector.shape_cast %broadcast_in_dim3A_85 : vector<50x1x64xf32> to vector<50x1x64xf32>
    %broadcast_in_dim3A_87 = vector.broadcast %broadcast_in_dim3A_86 : vector<50x1x64xf32> to vector<50x32x64xf32>
    %reshape3A_88 = vector.shape_cast %broadcast_in_dim3A_87 : vector<50x32x64xf32> to vector<1600x64xf32>
    %broadcast_in_dim3A_89 = vector.shape_cast %dot_general3A_84 : vector<50x64xf32> to vector<50x1x64xf32>
    %broadcast_in_dim3A_90 = vector.shape_cast %broadcast_in_dim3A_89 : vector<50x1x64xf32> to vector<50x1x64xf32>
    %broadcast_in_dim3A_91 = vector.broadcast %broadcast_in_dim3A_90 : vector<50x1x64xf32> to vector<50x32x64xf32>
    %reshape3A_92 = vector.shape_cast %broadcast_in_dim3A_91 : vector<50x32x64xf32> to vector<1600x64xf32>
    %gt3A = arith.constant 0.000000e+00 : f32
    %gt3A_93 = vector.broadcast %gt3A : f32 to vector<1600x1xf32>
    %gt3A_94 = arith.cmpf ogt, %get3A_20, %gt3A_93 : vector<1600x1xf32>
    %broadcast_in_dim3A_95 = vector.shape_cast %gt3A_94 : vector<1600x1xi1> to vector<1600x1xi1>
    %broadcast_in_dim3A_96 = vector.broadcast %broadcast_in_dim3A_95 : vector<1600x1xi1> to vector<1600x64xi1>
    %select_n3A = arith.select %broadcast_in_dim3A_96, %reshape3A_92, %reshape3A_88 : vector<1600x64xi1>, vector<1600x64xf32>
    %add3A_97 = arith.addf %broadcast_in_dim3A_51, %select_n3A : vector<1600x64xf32>
    %reshape3A_98 = vector.shape_cast %add3A_80 : vector<1600x64xf32> to vector<32x50x64xf32>
    %dot_general3A_99 = arith.constant dense<0.000000e+00> : vector<50x32x64xf32>
    %dot_general3A_100 = tpu.matmul %reshape3A_98, %get3A_8, %dot_general3A_99 {dimension_numbers = #tpu.dot_dimension_numbers<[2], [1], [0], [2], [0, 1, 0, 0, 1, 2], [1], [0]>, precision = #tpu.contract_precision<fp32>, transpose_lhs_hint = false} : vector<32x50x64xf32>, vector<50x64x64xf32>, vector<50x32x64xf32> -> vector<50x32x64xf32>
    %transpose3A = tpu.transpose %dot_general3A_100, [1, 0, 2] : vector<50x32x64xf32> -> vector<32x50x64xf32>
    %reshape3A_101 = vector.shape_cast %transpose3A : vector<32x50x64xf32> to vector<1600x64xf32>
    %add3A_102 = arith.addf %add3A_41, %reshape3A_101 : vector<1600x64xf32>
    %mul3A_103 = arith.constant 2.500000e-01 : f32
    %mul3A_104 = vector.broadcast %mul3A_103 : f32 to vector<1x64xf32>
    %mul3A_105 = arith.mulf %mul3A_104, %get3A_11 : vector<1x64xf32>
    %add3A_106 = vector.broadcast %mul3A_105 : vector<1x64xf32> to vector<1600x64xf32>
    %add3A_107 = arith.addf %add3A_102, %add3A_106 : vector<1600x64xf32>
    %mul3A_108 = vector.broadcast %get3A_17 : vector<1600x1xf32> to vector<1600x64xf32>
    %mul3A_109 = arith.mulf %mul3A_108, %add3A_97 : vector<1600x64xf32>
    %add3A_110 = arith.addf %add3A_50, %mul3A_109 : vector<1600x64xf32>
    %sub3A_111 = arith.subf %get3A_1, %add3A_110 : vector<1600x64xf32>
    %sub3A_112 = arith.subf %sub3A_111, %add3A_107 : vector<1600x64xf32>
    %mul3A_113 = arith.mulf %sub3A_112, %sub3A_112 : vector<1600x64xf32>
    %reduce_sum3A_114 = vector.shape_cast %mul3A_113 : vector<1600x64xf32> to vector<1x1600x64xf32>
    %reduce_sum3A_115 = arith.constant dense<0.000000e+00> : vector<1xf32>
    %reduce_sum3A_116 = vector.multi_reduction <add>, %reduce_sum3A_114, %reduce_sum3A_115 [1, 2] : vector<1x1600x64xf32> to vector<1xf32>
    %reduce_sum3A_117 = vector.shape_cast %reduce_sum3A_116 : vector<1xf32> to vector<1x1x1xf32>
    %reduce_sum3A_118 = vector.extract %reduce_sum3A_117[0, 0, 0] : f32 from vector<1x1x1xf32>
    %add3A_119 = arith.addf %add3A_63, %reduce_sum3A_118 : f32
    %mul3A_120 = arith.mulf %add3A_107, %add3A_107 : vector<1600x64xf32>
    %reduce_sum3A_121 = vector.shape_cast %mul3A_120 : vector<1600x64xf32> to vector<1x1600x64xf32>
    %reduce_sum3A_122 = arith.constant dense<0.000000e+00> : vector<1xf32>
    %reduce_sum3A_123 = vector.multi_reduction <add>, %reduce_sum3A_121, %reduce_sum3A_122 [1, 2] : vector<1x1600x64xf32> to vector<1xf32>
    %reduce_sum3A_124 = vector.shape_cast %reduce_sum3A_123 : vector<1xf32> to vector<1x1x1xf32>
    %reduce_sum3A_125 = vector.extract %reduce_sum3A_124[0, 0, 0] : f32 from vector<1x1x1xf32>
    %sqrt3A_126 = math.sqrt %reduce_sum3A_125 : f32
    %mul3A_127 = arith.constant 2.500000e-01 : f32
    %mul3A_128 = vector.broadcast %mul3A_127 : f32 to vector<1600x64xf32>
    %mul3A_129 = arith.mulf %add3A_107, %mul3A_128 : vector<1600x64xf32>
    %get3A_130 = arith.constant 1 : index
    %get3A_131 = arith.constant 0 : index
    %get3A_132 = arith.constant 0 : index
    %get3A_133 = vector.load %arg7[%get3A_130, %get3A_131, %get3A_132] : memref<4x1600x64xf32, #tpu.memory_space<vmem>>, vector<1x1600x64xf32>
    %get3A_134 = vector.shape_cast %get3A_133 : vector<1x1600x64xf32> to vector<1600x64xf32>
    %mul3A_135 = vector.broadcast %sqrt3A_126 : f32 to vector<1600x64xf32>
    %mul3A_136 = arith.mulf %mul3A_135, %get3A_134 : vector<1600x64xf32>
    %add3A_137 = arith.addf %mul3A_129, %mul3A_136 : vector<1600x64xf32>
    %dot_general3A_138 = arith.constant dense<0.000000e+00> : vector<50x64xf32>
    %dot_general3A_139 = tpu.matmul %get3A_23, %add3A_137, %dot_general3A_138 {dimension_numbers = #tpu.dot_dimension_numbers<[1], [0], [0], [1], [0, 0, 1, 1], [], []>, precision = #tpu.contract_precision<fp32>, transpose_lhs_hint = false} : vector<50x1600xf32>, vector<1600x64xf32>, vector<50x64xf32> -> vector<50x64xf32>
    %dot_general3A_140 = arith.constant dense<0.000000e+00> : vector<50x64xf32>
    %dot_general3A_141 = tpu.matmul %get3A_26, %add3A_137, %dot_general3A_140 {dimension_numbers = #tpu.dot_dimension_numbers<[1], [0], [0], [1], [0, 0, 1, 1], [], []>, precision = #tpu.contract_precision<fp32>, transpose_lhs_hint = false} : vector<50x1600xf32>, vector<1600x64xf32>, vector<50x64xf32> -> vector<50x64xf32>
    %broadcast_in_dim3A_142 = vector.shape_cast %dot_general3A_139 : vector<50x64xf32> to vector<50x1x64xf32>
    %broadcast_in_dim3A_143 = vector.shape_cast %broadcast_in_dim3A_142 : vector<50x1x64xf32> to vector<50x1x64xf32>
    %broadcast_in_dim3A_144 = vector.broadcast %broadcast_in_dim3A_143 : vector<50x1x64xf32> to vector<50x32x64xf32>
    %reshape3A_145 = vector.shape_cast %broadcast_in_dim3A_144 : vector<50x32x64xf32> to vector<1600x64xf32>
    %broadcast_in_dim3A_146 = vector.shape_cast %dot_general3A_141 : vector<50x64xf32> to vector<50x1x64xf32>
    %broadcast_in_dim3A_147 = vector.shape_cast %broadcast_in_dim3A_146 : vector<50x1x64xf32> to vector<50x1x64xf32>
    %broadcast_in_dim3A_148 = vector.broadcast %broadcast_in_dim3A_147 : vector<50x1x64xf32> to vector<50x32x64xf32>
    %reshape3A_149 = vector.shape_cast %broadcast_in_dim3A_148 : vector<50x32x64xf32> to vector<1600x64xf32>
    %gt3A_150 = arith.constant 0.000000e+00 : f32
    %gt3A_151 = vector.broadcast %gt3A_150 : f32 to vector<1600x1xf32>
    %gt3A_152 = arith.cmpf ogt, %get3A_20, %gt3A_151 : vector<1600x1xf32>
    %broadcast_in_dim3A_153 = vector.shape_cast %gt3A_152 : vector<1600x1xi1> to vector<1600x1xi1>
    %broadcast_in_dim3A_154 = vector.broadcast %broadcast_in_dim3A_153 : vector<1600x1xi1> to vector<1600x64xi1>
    %select_n3A_155 = arith.select %broadcast_in_dim3A_154, %reshape3A_149, %reshape3A_145 : vector<1600x64xi1>, vector<1600x64xf32>
    %add3A_156 = arith.addf %add3A_97, %select_n3A_155 : vector<1600x64xf32>
    %reshape3A_157 = vector.shape_cast %add3A_137 : vector<1600x64xf32> to vector<32x50x64xf32>
    %dot_general3A_158 = arith.constant dense<0.000000e+00> : vector<50x32x64xf32>
    %dot_general3A_159 = tpu.matmul %reshape3A_157, %get3A_8, %dot_general3A_158 {dimension_numbers = #tpu.dot_dimension_numbers<[2], [1], [0], [2], [0, 1, 0, 0, 1, 2], [1], [0]>, precision = #tpu.contract_precision<fp32>, transpose_lhs_hint = false} : vector<32x50x64xf32>, vector<50x64x64xf32>, vector<50x32x64xf32> -> vector<50x32x64xf32>
    %transpose3A_160 = tpu.transpose %dot_general3A_159, [1, 0, 2] : vector<50x32x64xf32> -> vector<32x50x64xf32>
    %reshape3A_161 = vector.shape_cast %transpose3A_160 : vector<32x50x64xf32> to vector<1600x64xf32>
    %add3A_162 = arith.addf %add3A_107, %reshape3A_161 : vector<1600x64xf32>
    %mul3A_163 = arith.constant 2.500000e-01 : f32
    %mul3A_164 = vector.broadcast %mul3A_163 : f32 to vector<1x64xf32>
    %mul3A_165 = arith.mulf %mul3A_164, %get3A_11 : vector<1x64xf32>
    %add3A_166 = vector.broadcast %mul3A_165 : vector<1x64xf32> to vector<1600x64xf32>
    %add3A_167 = arith.addf %add3A_162, %add3A_166 : vector<1600x64xf32>
    %mul3A_168 = vector.broadcast %get3A_17 : vector<1600x1xf32> to vector<1600x64xf32>
    %mul3A_169 = arith.mulf %mul3A_168, %add3A_156 : vector<1600x64xf32>
    %add3A_170 = arith.addf %add3A_50, %mul3A_169 : vector<1600x64xf32>
    %sub3A_171 = arith.subf %get3A_1, %add3A_170 : vector<1600x64xf32>
    %sub3A_172 = arith.subf %sub3A_171, %add3A_167 : vector<1600x64xf32>
    %mul3A_173 = arith.mulf %sub3A_172, %sub3A_172 : vector<1600x64xf32>
    %reduce_sum3A_174 = vector.shape_cast %mul3A_173 : vector<1600x64xf32> to vector<1x1600x64xf32>
    %reduce_sum3A_175 = arith.constant dense<0.000000e+00> : vector<1xf32>
    %reduce_sum3A_176 = vector.multi_reduction <add>, %reduce_sum3A_174, %reduce_sum3A_175 [1, 2] : vector<1x1600x64xf32> to vector<1xf32>
    %reduce_sum3A_177 = vector.shape_cast %reduce_sum3A_176 : vector<1xf32> to vector<1x1x1xf32>
    %reduce_sum3A_178 = vector.extract %reduce_sum3A_177[0, 0, 0] : f32 from vector<1x1x1xf32>
    %add3A_179 = arith.addf %add3A_119, %reduce_sum3A_178 : f32
    %mul3A_180 = arith.mulf %add3A_167, %add3A_167 : vector<1600x64xf32>
    %reduce_sum3A_181 = vector.shape_cast %mul3A_180 : vector<1600x64xf32> to vector<1x1600x64xf32>
    %reduce_sum3A_182 = arith.constant dense<0.000000e+00> : vector<1xf32>
    %reduce_sum3A_183 = vector.multi_reduction <add>, %reduce_sum3A_181, %reduce_sum3A_182 [1, 2] : vector<1x1600x64xf32> to vector<1xf32>
    %reduce_sum3A_184 = vector.shape_cast %reduce_sum3A_183 : vector<1xf32> to vector<1x1x1xf32>
    %reduce_sum3A_185 = vector.extract %reduce_sum3A_184[0, 0, 0] : f32 from vector<1x1x1xf32>
    %sqrt3A_186 = math.sqrt %reduce_sum3A_185 : f32
    %mul3A_187 = arith.constant 2.500000e-01 : f32
    %mul3A_188 = vector.broadcast %mul3A_187 : f32 to vector<1600x64xf32>
    %mul3A_189 = arith.mulf %add3A_167, %mul3A_188 : vector<1600x64xf32>
    %get3A_190 = arith.constant 2 : index
    %get3A_191 = arith.constant 0 : index
    %get3A_192 = arith.constant 0 : index
    %get3A_193 = vector.load %arg7[%get3A_190, %get3A_191, %get3A_192] : memref<4x1600x64xf32, #tpu.memory_space<vmem>>, vector<1x1600x64xf32>
    %get3A_194 = vector.shape_cast %get3A_193 : vector<1x1600x64xf32> to vector<1600x64xf32>
    %mul3A_195 = vector.broadcast %sqrt3A_186 : f32 to vector<1600x64xf32>
    %mul3A_196 = arith.mulf %mul3A_195, %get3A_194 : vector<1600x64xf32>
    %add3A_197 = arith.addf %mul3A_189, %mul3A_196 : vector<1600x64xf32>
    %dot_general3A_198 = arith.constant dense<0.000000e+00> : vector<50x64xf32>
    %dot_general3A_199 = tpu.matmul %get3A_23, %add3A_197, %dot_general3A_198 {dimension_numbers = #tpu.dot_dimension_numbers<[1], [0], [0], [1], [0, 0, 1, 1], [], []>, precision = #tpu.contract_precision<fp32>, transpose_lhs_hint = false} : vector<50x1600xf32>, vector<1600x64xf32>, vector<50x64xf32> -> vector<50x64xf32>
    %dot_general3A_200 = arith.constant dense<0.000000e+00> : vector<50x64xf32>
    %dot_general3A_201 = tpu.matmul %get3A_26, %add3A_197, %dot_general3A_200 {dimension_numbers = #tpu.dot_dimension_numbers<[1], [0], [0], [1], [0, 0, 1, 1], [], []>, precision = #tpu.contract_precision<fp32>, transpose_lhs_hint = false} : vector<50x1600xf32>, vector<1600x64xf32>, vector<50x64xf32> -> vector<50x64xf32>
    %broadcast_in_dim3A_202 = vector.shape_cast %dot_general3A_199 : vector<50x64xf32> to vector<50x1x64xf32>
    %broadcast_in_dim3A_203 = vector.shape_cast %broadcast_in_dim3A_202 : vector<50x1x64xf32> to vector<50x1x64xf32>
    %broadcast_in_dim3A_204 = vector.broadcast %broadcast_in_dim3A_203 : vector<50x1x64xf32> to vector<50x32x64xf32>
    %reshape3A_205 = vector.shape_cast %broadcast_in_dim3A_204 : vector<50x32x64xf32> to vector<1600x64xf32>
    %broadcast_in_dim3A_206 = vector.shape_cast %dot_general3A_201 : vector<50x64xf32> to vector<50x1x64xf32>
    %broadcast_in_dim3A_207 = vector.shape_cast %broadcast_in_dim3A_206 : vector<50x1x64xf32> to vector<50x1x64xf32>
    %broadcast_in_dim3A_208 = vector.broadcast %broadcast_in_dim3A_207 : vector<50x1x64xf32> to vector<50x32x64xf32>
    %reshape3A_209 = vector.shape_cast %broadcast_in_dim3A_208 : vector<50x32x64xf32> to vector<1600x64xf32>
    %gt3A_210 = arith.constant 0.000000e+00 : f32
    %gt3A_211 = vector.broadcast %gt3A_210 : f32 to vector<1600x1xf32>
    %gt3A_212 = arith.cmpf ogt, %get3A_20, %gt3A_211 : vector<1600x1xf32>
    %broadcast_in_dim3A_213 = vector.shape_cast %gt3A_212 : vector<1600x1xi1> to vector<1600x1xi1>
    %broadcast_in_dim3A_214 = vector.broadcast %broadcast_in_dim3A_213 : vector<1600x1xi1> to vector<1600x64xi1>
    %select_n3A_215 = arith.select %broadcast_in_dim3A_214, %reshape3A_209, %reshape3A_205 : vector<1600x64xi1>, vector<1600x64xf32>
    %add3A_216 = arith.addf %add3A_156, %select_n3A_215 : vector<1600x64xf32>
    %reshape3A_217 = vector.shape_cast %add3A_197 : vector<1600x64xf32> to vector<32x50x64xf32>
    %dot_general3A_218 = arith.constant dense<0.000000e+00> : vector<50x32x64xf32>
    %dot_general3A_219 = tpu.matmul %reshape3A_217, %get3A_8, %dot_general3A_218 {dimension_numbers = #tpu.dot_dimension_numbers<[2], [1], [0], [2], [0, 1, 0, 0, 1, 2], [1], [0]>, precision = #tpu.contract_precision<fp32>, transpose_lhs_hint = false} : vector<32x50x64xf32>, vector<50x64x64xf32>, vector<50x32x64xf32> -> vector<50x32x64xf32>
    %transpose3A_220 = tpu.transpose %dot_general3A_219, [1, 0, 2] : vector<50x32x64xf32> -> vector<32x50x64xf32>
    %reshape3A_221 = vector.shape_cast %transpose3A_220 : vector<32x50x64xf32> to vector<1600x64xf32>
    %add3A_222 = arith.addf %add3A_167, %reshape3A_221 : vector<1600x64xf32>
    %mul3A_223 = arith.constant 2.500000e-01 : f32
    %mul3A_224 = vector.broadcast %mul3A_223 : f32 to vector<1x64xf32>
    %mul3A_225 = arith.mulf %mul3A_224, %get3A_11 : vector<1x64xf32>
    %add3A_226 = vector.broadcast %mul3A_225 : vector<1x64xf32> to vector<1600x64xf32>
    %add3A_227 = arith.addf %add3A_222, %add3A_226 : vector<1600x64xf32>
    %mul3A_228 = vector.broadcast %get3A_17 : vector<1600x1xf32> to vector<1600x64xf32>
    %mul3A_229 = arith.mulf %mul3A_228, %add3A_216 : vector<1600x64xf32>
    %add3A_230 = arith.addf %add3A_50, %mul3A_229 : vector<1600x64xf32>
    %sub3A_231 = arith.subf %get3A_1, %add3A_230 : vector<1600x64xf32>
    %sub3A_232 = arith.subf %sub3A_231, %add3A_227 : vector<1600x64xf32>
    %mul3A_233 = arith.mulf %sub3A_232, %sub3A_232 : vector<1600x64xf32>
    %reduce_sum3A_234 = vector.shape_cast %mul3A_233 : vector<1600x64xf32> to vector<1x1600x64xf32>
    %reduce_sum3A_235 = arith.constant dense<0.000000e+00> : vector<1xf32>
    %reduce_sum3A_236 = vector.multi_reduction <add>, %reduce_sum3A_234, %reduce_sum3A_235 [1, 2] : vector<1x1600x64xf32> to vector<1xf32>
    %reduce_sum3A_237 = vector.shape_cast %reduce_sum3A_236 : vector<1xf32> to vector<1x1x1xf32>
    %reduce_sum3A_238 = vector.extract %reduce_sum3A_237[0, 0, 0] : f32 from vector<1x1x1xf32>
    %add3A_239 = arith.addf %add3A_179, %reduce_sum3A_238 : f32
    %mul3A_240 = arith.mulf %add3A_227, %add3A_227 : vector<1600x64xf32>
    %reduce_sum3A_241 = vector.shape_cast %mul3A_240 : vector<1600x64xf32> to vector<1x1600x64xf32>
    %reduce_sum3A_242 = arith.constant dense<0.000000e+00> : vector<1xf32>
    %reduce_sum3A_243 = vector.multi_reduction <add>, %reduce_sum3A_241, %reduce_sum3A_242 [1, 2] : vector<1x1600x64xf32> to vector<1xf32>
    %reduce_sum3A_244 = vector.shape_cast %reduce_sum3A_243 : vector<1xf32> to vector<1x1x1xf32>
    %reduce_sum3A_245 = vector.extract %reduce_sum3A_244[0, 0, 0] : f32 from vector<1x1x1xf32>
    %sqrt3A_246 = math.sqrt %reduce_sum3A_245 : f32
    %mul3A_247 = arith.constant 2.500000e-01 : f32
    %mul3A_248 = vector.broadcast %mul3A_247 : f32 to vector<1600x64xf32>
    %mul3A_249 = arith.mulf %add3A_227, %mul3A_248 : vector<1600x64xf32>
    %get3A_250 = arith.constant 3 : index
    %get3A_251 = arith.constant 0 : index
    %get3A_252 = arith.constant 0 : index
    %get3A_253 = vector.load %arg7[%get3A_250, %get3A_251, %get3A_252] : memref<4x1600x64xf32, #tpu.memory_space<vmem>>, vector<1x1600x64xf32>
    %get3A_254 = vector.shape_cast %get3A_253 : vector<1x1600x64xf32> to vector<1600x64xf32>
    %mul3A_255 = vector.broadcast %sqrt3A_246 : f32 to vector<1600x64xf32>
    %mul3A_256 = arith.mulf %mul3A_255, %get3A_254 : vector<1600x64xf32>
    %add3A_257 = arith.addf %mul3A_249, %mul3A_256 : vector<1600x64xf32>
    %dot_general3A_258 = arith.constant dense<0.000000e+00> : vector<50x64xf32>
    %dot_general3A_259 = tpu.matmul %get3A_23, %add3A_257, %dot_general3A_258 {dimension_numbers = #tpu.dot_dimension_numbers<[1], [0], [0], [1], [0, 0, 1, 1], [], []>, precision = #tpu.contract_precision<fp32>, transpose_lhs_hint = false} : vector<50x1600xf32>, vector<1600x64xf32>, vector<50x64xf32> -> vector<50x64xf32>
    %dot_general3A_260 = arith.constant dense<0.000000e+00> : vector<50x64xf32>
    %dot_general3A_261 = tpu.matmul %get3A_26, %add3A_257, %dot_general3A_260 {dimension_numbers = #tpu.dot_dimension_numbers<[1], [0], [0], [1], [0, 0, 1, 1], [], []>, precision = #tpu.contract_precision<fp32>, transpose_lhs_hint = false} : vector<50x1600xf32>, vector<1600x64xf32>, vector<50x64xf32> -> vector<50x64xf32>
    %broadcast_in_dim3A_262 = vector.shape_cast %dot_general3A_259 : vector<50x64xf32> to vector<50x1x64xf32>
    %broadcast_in_dim3A_263 = vector.shape_cast %broadcast_in_dim3A_262 : vector<50x1x64xf32> to vector<50x1x64xf32>
    %broadcast_in_dim3A_264 = vector.broadcast %broadcast_in_dim3A_263 : vector<50x1x64xf32> to vector<50x32x64xf32>
    %reshape3A_265 = vector.shape_cast %broadcast_in_dim3A_264 : vector<50x32x64xf32> to vector<1600x64xf32>
    %broadcast_in_dim3A_266 = vector.shape_cast %dot_general3A_261 : vector<50x64xf32> to vector<50x1x64xf32>
    %broadcast_in_dim3A_267 = vector.shape_cast %broadcast_in_dim3A_266 : vector<50x1x64xf32> to vector<50x1x64xf32>
    %broadcast_in_dim3A_268 = vector.broadcast %broadcast_in_dim3A_267 : vector<50x1x64xf32> to vector<50x32x64xf32>
    %reshape3A_269 = vector.shape_cast %broadcast_in_dim3A_268 : vector<50x32x64xf32> to vector<1600x64xf32>
    %gt3A_270 = arith.constant 0.000000e+00 : f32
    %gt3A_271 = vector.broadcast %gt3A_270 : f32 to vector<1600x1xf32>
    %gt3A_272 = arith.cmpf ogt, %get3A_20, %gt3A_271 : vector<1600x1xf32>
    %broadcast_in_dim3A_273 = vector.shape_cast %gt3A_272 : vector<1600x1xi1> to vector<1600x1xi1>
    %broadcast_in_dim3A_274 = vector.broadcast %broadcast_in_dim3A_273 : vector<1600x1xi1> to vector<1600x64xi1>
    %select_n3A_275 = arith.select %broadcast_in_dim3A_274, %reshape3A_269, %reshape3A_265 : vector<1600x64xi1>, vector<1600x64xf32>
    %add3A_276 = arith.addf %add3A_216, %select_n3A_275 : vector<1600x64xf32>
    %mul3A_277 = vector.broadcast %get3A_17 : vector<1600x1xf32> to vector<1600x64xf32>
    %mul3A_278 = arith.mulf %mul3A_277, %add3A_276 : vector<1600x64xf32>
    %add3A_279 = arith.addf %add3A_50, %mul3A_278 : vector<1600x64xf32>
    %swap3A = arith.constant 0 : index
    %swap3A_280 = arith.constant 0 : index
    %swap3A_281 = vector.load %arg15[%swap3A, %swap3A_280] : memref<1600x64xf32, #tpu.memory_space<vmem>>, vector<1600x64xf32>
    tpu.vector_store %arg15[%swap3A, %swap3A_280], %add3A_279 {strides = array<i32>} : memref<1600x64xf32, #tpu.memory_space<vmem>>, vector<1600x64xf32>,
    %div3A = arith.constant 6.400000e+01 : f32
    %div3A_282 = arith.divf %add3A_239, %div3A : f32
    %reshape3A_283 = vector.broadcast %div3A_282 : f32 to vector<1x1xf32>
    %swap3A_284 = arith.constant 0 : index
    %swap3A_285 = arith.constant 0 : index
    %swap3A_286 = vector.load %arg16[%swap3A_284, %swap3A_285] : memref<1x1xf32, #tpu.memory_space<vmem>>, vector<1x1xf32>
    tpu.vector_store %arg16[%swap3A_284, %swap3A_285], %reshape3A_283 {strides = array<i32>} : memref<1x1xf32, #tpu.memory_space<vmem>>, vector<1x1xf32>,
    %sub3A_287 = arith.subf %get3A_1, %add3A_279 : vector<1600x64xf32>
    %abs3A = math.absf %sub3A_287 : vector<1600x64xf32>
    %reduce_sum3A_288 = vector.shape_cast %abs3A : vector<1600x64xf32> to vector<1x1600x64xf32>
    %reduce_sum3A_289 = arith.constant dense<0.000000e+00> : vector<1xf32>
    %reduce_sum3A_290 = vector.multi_reduction <add>, %reduce_sum3A_288, %reduce_sum3A_289 [1, 2] : vector<1x1600x64xf32> to vector<1xf32>
    %reduce_sum3A_291 = vector.shape_cast %reduce_sum3A_290 : vector<1xf32> to vector<1x1x1xf32>
    %reduce_sum3A_292 = vector.extract %reduce_sum3A_291[0, 0, 0] : f32 from vector<1x1x1xf32>
    %div3A_293 = arith.constant 1.024000e+05 : f32
    %div3A_294 = arith.divf %reduce_sum3A_292, %div3A_293 : f32
    %reshape3A_295 = vector.broadcast %div3A_294 : f32 to vector<1x1xf32>
    %swap3A_296 = arith.constant 0 : index
    %swap3A_297 = arith.constant 0 : index
    %swap3A_298 = vector.load %arg17[%swap3A_296, %swap3A_297] : memref<1x1xf32, #tpu.memory_space<vmem>>, vector<1x1xf32>
    tpu.vector_store %arg17[%swap3A_296, %swap3A_297], %reshape3A_295 {strides = array<i32>} : memref<1x1xf32, #tpu.memory_space<vmem>>, vector<1x1xf32>,
    return
  }
  func.func @transform_0(%arg0: i32) -> (i32, i32) {
    %c0_i32 = arith.constant 0 : i32
    %c0_i32_0 = arith.constant 0 : i32
    %c0_i32_1 = arith.constant 0 : i32
    return %c0_i32, %c0_i32_0 : i32, i32
  }
  func.func @transform_1(%arg0: i32) -> (i32, i32) {
    %c0_i32 = arith.constant 0 : i32
    %c0_i32_0 = arith.constant 0 : i32
    %c0_i32_1 = arith.constant 0 : i32
    return %c0_i32, %c0_i32_0 : i32, i32
  }
  func.func @transform_2(%arg0: i32) -> (i32, i32) {
    %c1_i32 = arith.constant 1 : i32
    %c0_i32 = arith.constant 0 : i32
    %c0_i32_0 = arith.constant 0 : i32
    return %c1_i32, %c0_i32 : i32, i32
  }
  func.func @transform_3(%arg0: i32) -> (i32, i32, i32) {
    %c0_i32 = arith.constant 0 : i32
    %c0_i32_0 = arith.constant 0 : i32
    %c0_i32_1 = arith.constant 0 : i32
    %c0_i32_2 = arith.constant 0 : i32
    return %c0_i32, %c0_i32_0, %c0_i32_1 : i32, i32, i32
  }
  func.func @transform_4(%arg0: i32) -> (i32, i32) {
    %c0_i32 = arith.constant 0 : i32
    %c0_i32_0 = arith.constant 0 : i32
    %c0_i32_1 = arith.constant 0 : i32
    return %c0_i32, %c0_i32_0 : i32, i32
  }
  func.func @transform_5(%arg0: i32) -> (i32, i32) {
    %c0_i32 = arith.constant 0 : i32
    %c0_i32_0 = arith.constant 0 : i32
    %c0_i32_1 = arith.constant 0 : i32
    return %c0_i32, %c0_i32_0 : i32, i32
  }
  func.func @transform_6(%arg0: i32) -> (i32, i32, i32) {
    %c0_i32 = arith.constant 0 : i32
    %c0_i32_0 = arith.constant 0 : i32
    %c0_i32_1 = arith.constant 0 : i32
    %c0_i32_2 = arith.constant 0 : i32
    return %c0_i32, %c0_i32_0, %c0_i32_1 : i32, i32, i32
  }
  func.func @transform_7(%arg0: i32) -> (i32, i32) {
    %c0_i32 = arith.constant 0 : i32
    %c0_i32_0 = arith.constant 0 : i32
    %c0_i32_1 = arith.constant 0 : i32
    return %c0_i32, %c0_i32_0 : i32, i32
  }
  func.func @transform_8(%arg0: i32) -> (i32, i32) {
    %c0_i32 = arith.constant 0 : i32
    %c0_i32_0 = arith.constant 0 : i32
    %c0_i32_1 = arith.constant 0 : i32
    return %c0_i32, %c0_i32_0 : i32, i32
  }
  func.func @transform_9(%arg0: i32) -> (i32, i32) {
    %c0_i32 = arith.constant 0 : i32
    %c0_i32_0 = arith.constant 0 : i32
    %c0_i32_1 = arith.constant 0 : i32
    return %c0_i32, %c0_i32_0 : i32, i32
  }
  func.func @transform_10(%arg0: i32) -> (i32, i32) {
    %c0_i32 = arith.constant 0 : i32
    %c0_i32_0 = arith.constant 0 : i32
    %c0_i32_1 = arith.constant 0 : i32
    return %c0_i32, %c0_i32_0 : i32, i32
  }
  func.func @transform_11(%arg0: i32) -> (i32, i32) {
    %c0_i32 = arith.constant 0 : i32
    %c0_i32_0 = arith.constant 0 : i32
    %c0_i32_1 = arith.constant 0 : i32
    return %c0_i32, %c0_i32_0 : i32, i32
  }
  func.func @transform_12(%arg0: i32) -> (i32, i32) {
    %c0_i32 = arith.constant 0 : i32
    %c0_i32_0 = arith.constant 0 : i32
    %c0_i32_1 = arith.constant 0 : i32
    return %c0_i32, %c0_i32_0 : i32, i32
  }
  func.func @transform_13(%arg0: i32) -> (i32, i32) {
    %c0_i32 = arith.constant 0 : i32
    %c0_i32_0 = arith.constant 0 : i32
    %c0_i32_1 = arith.constant 0 : i32
    return %c0_i32, %c0_i32_0 : i32, i32
  }
  func.func @transform_14(%arg0: i32) -> (i32, i32) {
    %c0_i32 = arith.constant 0 : i32
    %c0_i32_0 = arith.constant 0 : i32
    %c0_i32_1 = arith.constant 0 : i32
    return %c0_i32, %c0_i32_0 : i32, i32
  }
  func.func @transform_15(%arg0: i32) -> (i32, i32) {
    %c0_i32 = arith.constant 0 : i32
    %c0_i32_0 = arith.constant 0 : i32
    %c0_i32_1 = arith.constant 0 : i32
    return %c0_i32, %c0_i32_0 : i32, i32
  }
  func.func @transform_16(%arg0: i32) -> (i32, i32) {
    %c0_i32 = arith.constant 0 : i32
    %c0_i32_0 = arith.constant 0 : i32
    %c0_i32_1 = arith.constant 0 : i32
    return %c0_i32, %c0_i32_0 : i32, i32
  }
}

</mosaic_0001>

<sc_bundles>
// kernel: gather_offload_async_start
scs
__scs_entry_jumppad:
0x0: {  	(pc) =	sbr.rel $0x88, $3  }
0x1: {  	(tag) =	ssettag $0x0;
	lr =	simm.s32 $0x1  }
0x2: {  	[smem:$0x3F9D] =	sst lr;
	_ =	strace $0xD0000000  }
0x3: {  	_ = 	snop  }
0x4: {  	_ = 	snop  }
0x5: {  	_ = 	snop  }
0x6: {  	_ = 	snop  }
0x7: {  	_ = 	snop  }
__scs_overlays_trampoline_lowered:
0x8: {  	[smem:$0x3FAC] =	sst s0  }
0x9: {  	[smem:$0x3FAD] =	sst s1  }
0xa: {  	[smem:$0x3FAE] =	sst s2  }
0xb: {  	[smem:$0x3FAF] =	sst s3  }
0xc: {  	[smem:$0x3FB0] =	sst s4  }
0xd: {  	[smem:$0x3FB1] =	sst s5  }
0xe: {  	[smem:$0x3FB2] =	sst s6  }
0xf: {  	[smem:$0x3FB3] =	sst s7  }
0x10: {  	[smem:$0x3FB4] =	sst s8  }
0x11: {  	[smem:$0x3FB5] =	sst s9;
	s0 =	simm.s32 @!p0 $0x0  }
0x12: {  	s1 =	sld [smem:$0x3F9B];
	s0 =	simm.s32 @p0 $0x1  }
0x13: {  	[smem:$0x3FB6] =	sst s0;
	s0 =	simm.s32 @!p1 $0x0  }
0x14: {  	s2 =	sld [smem:$0x3F9A];
	s0 =	simm.s32 @p1 $0x1  }
0x15: {  	[smem:$0x3FB7] =	sst s0;
	s0 =	simm.s32 @!p2 $0x0  }
0x16: {  	s3 =	sld [smem:$0x3FDB];
	s0 =	simm.s32 @p2 $0x1  }
0x17: {  	s4 =	simm.s32 $0x1BF5;
	[smem:$0x3FB9] =	sst s0  }
0x18: {  	s0 =	sld [smem:$0x3F9C];
	_ =	swait.ge [sflag:s4], $0x0  }
0x19: {  	s7 =	sld [smem:$0x3F9D]  }
0x1a: {  	s8 =	sadd.s32 $0xFFFFE003, lr  }
0x1b: {  	s9 =	sadd.s32 $0xFFFFFEF7, lr;
	s5 =	simm.s32 $0xFFFFFFFF;
	p2 =	slt.u32 s8, $0xFFFFF086  }
0x1c: {  	p1 =	slt.u32 s9, $0xF7A;
	s5 =	simm.s32 @!p2 $0x0  }
0x1d: {  	s5 =	simm.s32 @p1 $0x1;
	p0 =	seq.s32 s7, s2  }
0x1e: {  	s7 =	smul.u32 @!p0 $0xF7A, s2;
	p2 =	seq.s32 @!p0 s5, $0x0  }
0x1f: {  	s9 =	smul.u32 $0xF7A, s1;
	s8 =	simm.s32 @!p0 $0x1BF5;
	p2 =	por !p2, p0  }
0x20: {  	[sflag:s8] =	ssyncset.s32 @!p0 $0xFFFFF086;
	s6 =	sadd.s32 @!p0 s3, s7;
	s7 =	simm.s32 @!p0 $0x108  }
0x21: {  	s3 =	sadd.s32 s3, s9;
	s6 =	sadd.s32 @!p0 $0x88, s6;
	s7 =	simm.s32 @p2 $0x1082  }
0x22: {  	[simem:s7], [sflag:s8] =	dma.local @!p0 [hbm:s6], $0xF7A  }
0x23: {  	s9 =	sor.u32 $0xD0000000, s2;
	s6 =	simm.s32 $0x108;
	_ =	swait.ge @!p0 [sflag:s8], $0x0  }
0x24: {  	s3 =	sadd.s32 $0x88, s3;
	s6 =	simm.s32 @!p1 $0x1082;
	[sflag:s4] =	ssyncset.s32 $0xFFFFF086  }
0x25: {  	[simem:s6], [sflag:s4] =	dma.local [hbm:s3], $0xF7A  }
0x26: {  	[smem:$0x3F9D] =	sst s1;
	(tag) =	ssettag s2;
	_ =	strace s9  }
0x27: {  	s1 =	sld [smem:$0x3FAD]  }
0x28: {  	s2 =	sld [smem:$0x3FAE]  }
0x29: {  	s4 =	sld [smem:$0x3FB0]  }
0x2a: {  	p0 =	seq.s32 s5, $0x0;
	s5 =	sld [smem:$0x3FB1]  }
0x2b: {  	s6 =	sld [smem:$0x3FB2]  }
0x2c: {  	s7 =	sld [smem:$0x3FB3]  }
0x2d: {  	s3 =	simm.s32 $0x108;
	s8 =	sld [smem:$0x3FB4]  }
0x2e: {  	s3 =	simm.s32 @!p0 $0x1082;
	s9 =	sld [smem:$0x3FB5]  }
0x2f: {  	lr =	sadd.s32 s0, s3;
	s0 =	sld [smem:$0x3FAC]  }
0x30: {  	s3 =	sld [smem:$0x3FAF]  }
0x31: {  	[smem:$0x3FB8] =	sst s10  }
0x32: {  	s10 =	sld [smem:$0x3FB6];
	_ =	sdelay $0x3  }
0x33: {  	p0 =	seq.s32 s10, $0x1;
	s10 =	sld [smem:$0x3FB8];
	_ =	sdelay $0x3  }
0x34: {  	[smem:$0x3FB8] =	sst s10  }
0x35: {  	s10 =	sld [smem:$0x3FB7];
	_ =	sdelay $0x3  }
0x36: {  	p1 =	seq.s32 s10, $0x1;
	s10 =	sld [smem:$0x3FB8];
	_ =	sdelay $0x3  }
0x37: {  	[smem:$0x3FB8] =	sst s10  }
0x38: {  	s10 =	sld [smem:$0x3FB9]  }
0x39: {  	_ = 	snop;
	(pc) =	sbr.ind lr, $3  }
0x3a: {  	_ = 	snop  }
0x3b: {  	_ = 	snop  }
0x3c: {  	p2 =	seq.s32 s10, $0x1;
	s10 =	sld [smem:$0x3FB8]  }
0x3d: {  	_ =	shalt  }
0x3e: {  	_ =	shalt  }
0x3f: {  	_ =	shalt  }
0x40: {  	_ =	shalt  }
0x41: {  	_ =	shalt  }
0x42: {  	_ =	shalt  }
0x43: {  	_ =	shalt  }
0x44: {  	_ =	shalt  }
0x45: {  	_ =	shalt  }
0x46: {  	_ =	shalt  }
0x47: {  	_ =	shalt  }
0x48: {  	_ =	shalt  }
0x49: {  	_ =	shalt  }
0x4a: {  	_ =	shalt  }
0x4b: {  	_ =	shalt  }
0x4c: {  	_ =	shalt  }
0x4d: {  	_ =	shalt  }
0x4e: {  	_ =	shalt  }
0x4f: {  	_ =	shalt  }
0x50: {  	_ =	shalt  }
0x51: {  	_ =	shalt  }
0x52: {  	_ =	shalt  }
0x53: {  	_ =	shalt  }
0x54: {  	_ =	shalt  }
0x55: {  	_ =	shalt  }
0x56: {  	_ =	shalt  }
0x57: {  	_ =	shalt  }
0x58: {  	_ =	shalt  }
0x59: {  	_ =	shalt  }
0x5a: {  	_ =	shalt  }
0x5b: {  	_ =	shalt  }
0x5c: {  	_ =	shalt  }
0x5d: {  	_ =	shalt  }
0x5e: {  	_ =	shalt  }
0x5f: {  	_ =	shalt  }
0x60: {  	_ =	shalt  }
0x61: {  	_ =	shalt  }
0x62: {  	_ =	shalt  }
0x63: {  	_ =	shalt  }
0x64: {  	_ =	shalt  }
0x65: {  	_ =	shalt  }
0x66: {  	_ =	shalt  }
0x67: {  	_ =	shalt  }
0x68: {  	_ =	shalt  }
0x69: {  	_ =	shalt  }
0x6a: {  	_ =	shalt  }
0x6b: {  	_ =	shalt  }
0x6c: {  	_ =	shalt  }
0x6d: {  	_ =	shalt  }
0x6e: {  	_ =	shalt  }
0x6f: {  	_ =	shalt  }
0x70: {  	_ =	shalt  }
0x71: {  	_ =	shalt  }
0x72: {  	_ =	shalt  }
0x73: {  	_ =	shalt  }
0x74: {  	_ =	shalt  }
0x75: {  	_ =	shalt  }
0x76: {  	_ =	shalt  }
0x77: {  	_ =	shalt  }
0x78: {  	_ =	shalt  }
0x79: {  	_ =	shalt  }
0x7a: {  	_ =	shalt  }
0x7b: {  	_ =	shalt  }
0x7c: {  	_ =	shalt  }
0x7d: {  	_ =	shalt  }
0x7e: {  	_ =	shalt  }
0x7f: {  	_ =	shalt  }
0x80: {  	_ =	shalt  }
0x81: {  	_ =	shalt  }
0x82: {  	_ =	shalt  }
0x83: {  	_ =	shalt  }
0x84: {  	_ =	shalt  }
0x85: {  	_ =	shalt  }
0x86: {  	_ =	shalt  }
0x87: {  	_ =	shalt  }
.Lfunc_end0:
.L_simem_size_0:
called_computation_lowered:
.L_overlay_start_0:
0x88: {  	s2 =	sld [smem:$0x3FD9]  }
0x89: {  	s3 =	sld [smem:$0x3FFE];
	_ =	sdelay $0x1  }
0x8a: {  	s1 =	srdreg.scid  }
0x8b: {  	s0 =	sand.u32 $0x1, s1  }
0x8c: {  	s15 =	sshll.u32 s0, $0xA;
	s2 =	sadd.s32 s3, s2  }
0x8d: {  	s2 =	sadd.s32 s2, s15  }
0x8e: {  	[smem:$0x3FC4] =	sst s2  }
0x8f: {  	_ = 	snop  }
0x90: {  	s2 =	sld [smem:$0x3FD0];
	_ =	sdelay $0x2  }
0x91: {  	s16 =	simm.s32 $0xB;
	s4 =	simm.s32 $0x10  }
0x92: {  	[smem:s4], [sflag:s16] =	dma.local [hbm:s2], $0x1  }
0x93: {  	_ =	swait.eq [sflag:s16], $0x1  }
0x94: {  	[sflag:s16] =	ssyncset.done $0x0  }
0x95: {  	[sflag:s16] =	ssyncadd.s32 $0xFFFFFFFF  }
0x96: {  	s17 =	sld [smem:$0x10];
	(tm) =	ssettm $0x1  }
0x97: {  	s18 =	sld [smem:$0x3FFB];
	_ =	sdelay $0x3  }
0x98: {  	_ =	strace s18  }
0x99: {  	s2 =	sld [smem:$0x3FFC];
	_ =	sdelay $0x3  }
0x9a: {  	_ =	strace s2  }
0x9b: {  	s2 =	sld [smem:$0x3FFD];
	_ =	sdelay $0x3  }
0x9c: {  	_ =	strace s2  }
0x9d: {  	_ =	strace $0x8FFFFFFF  }
0x9e: {  	s19 =	sld [smem:$0x3FDB];
	_ =	sdelay $0x1  }
0x9f: {  	s20 =	simm.s32 $_scs_section_size  }
0xa0: {  	s5 =	simm.s32 $_size__tile_overlayer_lowered;
	s6 =	simm.s32 $_tile_overlayer_lowered  }
0xa1: {  	s7 =	simm.s32 $0x1BFF;
	s21 =	sshll.u32 s6, $0x1;
	s4 =	sadd.s32 s20, s19  }
0xa2: {  	s22 =	simm.s32 $0x0;
	s5 =	sshll.u32 s5, $0x1;
	s6 =	sadd.s32 s21, s4  }
0xa3: {  	[timem:s22], [sflag:s7] =	dma.local [hbm:s6], s5  }
0xa4: {  	_ =	swait.ge [sflag:s7], s5  }
0xa5: {  	s5 =	ssub.s32 $0x0, s5;
	[sflag:s7] =	ssyncset.done $0x0  }
0xa6: {  	[sflag:s7] =	ssyncadd.s32 s5;
	_ =	sdelay $0x1  }
0xa7: {  	s23 =	simm.s32 $0x1B8B  }
0xa8: {  	_ =	swait.ge [sflag:s23], $0x1  }
0xa9: {  	[sflag:s23] =	ssyncset.done $0x0  }
0xaa: {  	[sflag:s23] =	ssyncadd.s32 $0xFFFFFFFF  }
0xab: {  	s5 =	sld [smem:$0x0]  }
0xac: {  	s6 =	sand.u32 $0xFFFFFFFE, s1  }
0xad: {  	p0 =	sne.s32 s1, s6  }
0xae: {  	s6 =	sshll.u32 @p0 s6, $0xE  }
0xaf: {  	s6 =	sadd.s32 @p0 $0x11B8D, s6;
	s7 =	sshll.u32 @p0 s5, $0x11  }
0xb0: {  	s6 =	sor.u32 @p0 s7, s6  }
0xb1: {  	[sflag:s6] =	ssyncadd.remote.s32 @p0 $0x1;
	_ =	sdelay $0x1  }
0xb2: {  	s6 =	simm.s32 @p0 $0x1B8D  }
0xb3: {  	_ =	swait.eq @p0 [sflag:s6], $0x1  }
0xb4: {  	[sflag:s6] =	ssyncadd.s32 @p0 $0xFFFFFFFF  }
0xb5: {  	s7 =	sshll.u32 @!p0 s1, $0xE  }
0xb6: {  	s7 =	sor.u32 @!p0 $0x4000, s7;
	s6 =	simm.s32 @!p0 $0x1B8D  }
0xb7: {  	s5 =	sshll.u32 @!p0 s5, $0x11;
	s7 =	sadd.s32 @!p0 $0x11B8D, s7;
	_ =	swait.eq @!p0 [sflag:s6], $0x1  }
0xb8: {  	s5 =	sor.u32 @!p0 s5, s7;
	[sflag:s6] =	ssyncadd.s32 @!p0 $0xFFFFFFFF  }
0xb9: {  	s25 =	simm.s32 $0x1B8E;
	s24 =	sld [smem:$0x3FFE];
	[sflag:s5] =	ssyncadd.remote.s32 @!p0 $0x1  }
0xba: {  	s26 =	simm.s32 $execute0_lowered;
	[smem:$0x3FD2] =	sst s25  }
0xbb: {  	s6 =	sshll.u32 s26, $0x1;
	_ =	strace $0x80000049;
	[dreg:$0x1] =	wrdreg $0xFFFFFFFF  }
0xbc: {  	s28 =	simm.s32 $_size_execute0_lowered;
	s4 =	sadd.s32 s4, s6;
	[dreg:$0x0] =	wrdreg $0x0  }
0xbd: {  	s6 =	sshll.u32 s28, $0x1;
	[dreg:$0x2] =	wrdreg s4  }
0xbe: {  	[dreg:$0x3] =	wrdreg s6  }
0xbf: {  	[dreg:$0x4] =	wrdreg $0xC0  }
0xc0: {  	_ =	task [dreg:s22], $0x5FFFF  }
0xc1: {  	[dreg:$0x1] =	wrdreg $0xFFFFFFFF  }
0xc2: {  	[dreg:$0x0] =	wrdreg $0x60  }
0xc3: {  	[dreg:$0x2] =	wrdreg s24  }
0xc4: {  	[dreg:$0x3] =	wrdreg s17  }
0xc5: {  	[dreg:$0x4] =	wrdreg $0x9  }
0xc6: {  	_ =	task.clear_ibuf [dreg:s22], $0x5FFFF;
	_ =	strace $0x90000049  }
0xc7: {  	s29 =	simm.s32 $0x9;
	_ =	strace $0x8000004B  }
0xc8: {  	_ =	swait.ge [sflag:s29], $0x1  }
0xc9: {  	[sflag:s29] =	ssyncadd.s32 $0xFFFFFFFF  }
0xca: {  	_ =	strace $0x9000004B  }
0xcb: {  	_ =	sfence  }
0xcc: {  	s30 =	sld [smem:$0x0];
	_ =	sdelay $0x2  }
0xcd: {  	s31 =	sshll.u32 s1, $0xD;
	s1 =	sshrl.u32 s1, $0x2  }
0xce: {  	s4 =	sand.u32 $0x4000, s31;
	s1 =	sadd.s32 s1, s30  }
0xcf: {  	s0 =	sor.u32 s4, s0;
	s1 =	sshll.u32 s1, $0x11  }
0xd0: {  	s0 =	sor.u32 s1, s0  }
0xd1: {  	s0 =	sadd.s32 $0x8F2B, s0  }
0xd2: {  	[sflag:s0] =	ssyncadd.remote.s32 $0x1  }
0xd3: {  	_ =	sfence.sel $0xFFFF  }
0xd4: {  	[dreg:$0x0] =	wrdreg $0xFFFFFFFF;
	(pc) =	sbr.abs _section_cstart, $3  }
0xd5: {  	[dreg:$0x1] =	wrdreg $0xFFFFFFFF  }
0xd6: {  	_ =	task.clear_ibuf [dreg:s22], $0x2FFFF;
	_ =	strace $0x9FFFFFFF  }
0xd7: {  	(tm) =	ssettm $0x7FFFFFFF  }
tec
execute0_lowered:
.L_overlay_start_1:
0x0: {  	(tag) =	ssettag $0x1  }
0x1: {  	s0 =	srdreg.scid  }
0x2: {  	s1 =	sshll.u32 s0, $0x4  }
0x3: {  	s0 =	stileid.u32;
	s1 =	sand.u32 $0x10, s1  }
0x4: {  	s9 =	rddreg [dreg:$0x0];
	s1 =	sor.u32 s0, s1  }
0x5: {  	s3 =	rddreg [dreg:$0x1];
	s2 =	smin.u32 s1, $0x12  }
0x6: {  	p0 =	slt.u32 s1, $0x12;
	s2 =	sadd.s32 s1, s2;
	s1 =	simm.s32 $0x40  }
0x7: {  	s6 =	simm.s32 $0x1;
	s2 =	sshll.u32 s2, $0x5;
	s1 =	simm.s32 @!p0 $0x20  }
0x8: {  	s7 =	simm.s32 $0x2;
	s10 =	simm.s32 $0x3;
	s4 =	sadd.s32 s1, s2  }
0x9: {  	s13 =	simm.s32 $0x0;
	s12 =	simm.s32 $0x0;
	s4 =	smin.u32 s4, $0x640  }
.Ltmp0:
0xa: {  	s5 =	sadd.s32 $0xC000, s9;
	s8 =	ssub.s32 s4, s2;
	(pc) =	sbr.rel .LBB2_1-.Ltmp0, $4  }
0xb: {  	s1 =	rddreg [dreg:$0x2];
	_ =	strace $0x8000004A;
	p0 =	sgt.s32 s8, $0x0  }
0xc: {  	s9 =	sadd.s32 $0x144800, s9;
	[sflag:s6] =	ssyncpa.u1 $0x0;
	s8 =	simm.s32 @!p0 $0x0  }
0xd: {  	s11 =	smov.u32 s2;
	[sflag:s7] =	ssyncpa.u1 $0x0;
	s8 =	sshrl.u32 s8, $0x5  }
0xe: {  	vm0 =	vmmov $0xff;
	vm1 =	vcmask $0x3F20;
	[sflag:s10] =	ssyncpa.u1 $0x0;
	p0 =	por $0x0, $0x0;
	s10 =	sadd.s32 $0x1, s8  }
.LBB2_6:
0xf: {  	[hbm:s17] =	stream.linear.scatter [tilespmem:s14], [sflag:$0x3], $0x400, $0x38;
	[tilespmem:$0x2040] =	vst v63  }
.LBB2_7:
0x10: {  	s13 =	sadd.s32 $0x20, s11  }
0x11: {  	s15 =	smov.u32 s2;
	p2 =	slt.s32 s13, s4  }
0x12: {  	s15 =	smov.u32 @p2 s13;
	p2 =	sne.s32 s12, s10  }
.Ltmp1:
0x13: {  	p1 =	slt.u32 s12, $0x2;
	(pc) =	sbr.rel @!p2 .LBB2_8-.Ltmp1, $4  }
0x14: {  	s14 =	simm.s32 @!p1 $0x3  }
0x15: {  	s16 =	sadd.s32 $0x1, s12;
	_ =	swait.ge @!p1 [sflag:s14], $0x1000  }
0x16: {  	p0 =	por !p0, !p0;
	s13 =	smov.u32 s11;
	[sflag:s14] =	ssyncset.done @!p1 $0x0  }
0x17: {  	s12 =	smov.u32 s16;
	s11 =	smov.u32 s15;
	[sflag:s14] =	ssyncadd.s32 @!p1 $0xFFFFF000  }
.LBB2_1:
0x18: {  	p1 =	sge.u32 s12, s8  }
0x19: {  	s14 =	sxor.u32 @!p1 $0xFFFFFFFF, s12  }
0x1a: {  	s31 =	sadd.s32 $0xFFFFFFFF, s12;
	s15 =	sshrl.u32 @!p1 s11, $0x3;
	s14 =	sshll.u32 @!p1 s14, $0x5  }
0x1b: {  	s16 =	sand.u32 @!p1 $0x7, s11;
	s15 =	sadd.s32 @!p1 s9, s15;
	s14 =	sand.u32 @!p1 $0x20, s14  }
0x1c: {  	[tilespmem:s14], [sflag:$0x2] =	stream.linear.gather @!p1 [hbm4b:s15+s16], $0x20, $0x38;
	[tilespmem:$0x2040] =	vst v63  }
0x1d: {  	p1 =	sge.u32 s31, s8  }
.Ltmp2:
0x1e: {  	_ = 	snop;
	(pc) =	sbr.rel @p1 .LBB2_7-.Ltmp2, $1  }
0x1f: {  	_ =	sdelay $0x3  }
0x20: {  	s14 =	simm.s32 $0x1  }
0x21: {  	_ =	swait.ge [sflag:s7], $0x20;
	s16 =	sand.u32 $0x1, s12;
	s17 =	simm.s32 $0x0  }
0x22: {  	p1 =	por $0x1, $0x1;
	s14 =	simm.s32 @!p0 $0x0;
	[sflag:s7] =	ssyncset.done $0x0  }
0x23: {  	s15 =	sshll.u32 s16, $0x5;
	s16 =	sshll.u32 s16, $0xC;
	s14 =	sshll.u32 s14, $0xC  }
0x24: {  	[sflag:s7] =	ssyncadd.s32 $0xFFFFFFE0;
	s16 =	sor.u32 $0x40, s16;
	s14 =	sor.u32 $0x40, s14  }
.LBB2_3:
0x25: {  	s18 =	sshll.u32 s17, $0x4  }
0x26: {  	s18 =	sand.u32 $0x3FFFFFF0, s18  }
0x27: {  	s18 =	sadd.s32 s18, s15  }
0x28: {  	v0 =	vld.msk [tilespmem:s18+$0x0 ss:$0x1], $0xffff;
	_ =	sdelay $0x4  }
0x29: {  	vm2 =	vgt.s32 v0, $0x0  }
0x2a: {  	v0 =	vnsel vm2, $0x0, v0  }
0x2b: {  	v0 =	vmin.u32 v0, $0x1387F  }
0x2c: {  	v0 =	vshll.u32 v0, $0x4;
	_ =	sdelay $0x1  }
0x2d: {  	s31 =	sshll.u32 s17, $0xB  }
0x2e: {  	p2 =	por p1, p1;
	s17 =	sand.u32 $0x3FFFF800, s31  }
.Ltmp3:
0x2f: {  	s17 =	sadd.s32 s17, s16;
	(pc) =	sbr.rel @p2 .LBB2_3-.Ltmp3, $4  }
0x30: {  	[tilespmem:s17], [sflag:$0x1] =	stream.indirect_vreg.gather [hbm:s5], $0x80, v0, vm0, $0x38;
	[tilespmem:$0x2040] =	vst v63  }
0x31: {  	s17 =	sadd.s32 $0x400, s17  }
0x32: {  	[tilespmem:s17], [sflag:$0x1] =	stream.indirect_vreg.gather [hbm:s5], $0x80, v0, vm1, $0x38;
	[tilespmem:$0x2040] =	vst v63  }
0x33: {  	p1 =	por $0x0, $0x0;
	s17 =	simm.s32 $0x1  }
0x34: {  	_ =	swait.ge [sflag:s6], $0x1000;
	s13 =	sshll.u32 s13, $0x4  }
0x35: {  	s15 =	simm.s32 $0x80;
	[sflag:s6] =	ssyncset.done $0x0;
	s13 =	sadd.s32 s13, s3  }
0x36: {  	s16 =	sadd.s32 $0x400, s14;
	[sflag:s6] =	ssyncadd.s32 $0xFFFFF000;
	s17 =	sadd.s32 $0x0, s13  }
.LBB2_5:
0x37: {  	[hbm:s17] =	stream.linear.scatter [tilespmem:s14], [sflag:$0x3], $0x400, $0x38;
	[tilespmem:$0x2040] =	vst v63  }
0x38: {  	s17 =	smov.u32 s15;
	s14 =	smov.u32 s16;
	p1 =	sne.s32 s15, $0x180  }
.Ltmp4:
0x39: {  	s15 =	sadd.s32 $0x80, s15;
	(pc) =	sbr.rel @p1 .LBB2_5-.Ltmp4, $2  }
0x3a: {  	_ =	sdelay $0x2  }
0x3b: {  	s16 =	sadd.s32 $0x400, s16;
	s17 =	sadd.s32 s17, s13  }
.Ltmp5:
0x3c: {  	_ = 	snop;
	(pc) =	sbr.rel .LBB2_6-.Ltmp5, $1  }
0x3d: {  	_ =	sdelay $0x3  }
.LBB2_8:
0x3e: {  	_ =	sfence.sel $0x180000  }
0x3f: {  	s2 =	simm.s32 $0x2;
	[bflag:$0x0] =	sbarrier.arrive $0xFFFF  }
0x40: {  	s30 =	simm.s32 $0x3;
	[sflag:s2] =	ssyncpa.u1 $0x1  }
0x41: {  	s31 =	simm.s32 $0x1;
	[sflag:s30] =	ssyncpa.u1 $0x1  }
0x42: {  	[sflag:s31] =	ssyncpa.u1 $0x1  }
0x43: {  	p0 =	sne.s32 s0, $0x0;
	_ =	strace $0x9000004A  }
0x44: {  	s0 =	sadd.s32 @!p0 $0x100000, s1;
	[bflag:$0x2] =	sbarrier.arrive $0xFFFF  }
0x45: {  	[sflag:s0] =	ssyncadd.tile.s32 @!p0 $0x1;
	_ =	shalt  }
.Lfunc_end2:
_tile_overlayer_lowered:
.L_overlay_start_2:
0x46: {  	(tag) =	ssettag $0x2  }
0x47: {  	s0 =	rddreg [dreg:$0x0];
	s2 =	stileid.u32  }
0x48: {  	s1 =	rddreg [dreg:$0x1];
	p0 =	sne.s32 s2, $0x0  }
0x49: {  	s3 =	rddreg [dreg:$0x2];
	[bflag:$0x3] =	sbarrier.arrive $0xFFFF;
	s2 =	simm.s32 @!p0 $0x1C01  }
0x4a: {  	[timem:s3], [sflag:s2] =	dma.local @!p0 [hbm:s0], s1  }
0x4b: {  	s0 =	simm.s32 @!p0 $0x1  }
0x4c: {  	_ =	swait.ge @!p0 [sflag:s0], s1  }
0x4d: {  	s1 =	ssub.s32 @!p0 $0x0, s1;
	[sflag:s0] =	ssyncset.done @!p0 $0x0  }
0x4e: {  	[sflag:s0] =	ssyncadd.s32 @!p0 s1  }
0x4f: {  	[bflag:$0x3] =	sbarrier.arrive $0xFFFF  }
0x50: {  	_ =	shalt  }

// kernel: kernel.5.cloned.1.call-start
scs
__scs_entry_jumppad:
0x0: {  	(pc) =	sbr.rel $0x88, $3  }
0x1: {  	(tag) =	ssettag $0x0;
	lr =	simm.s32 $0x1  }
0x2: {  	[smem:$0x3F9D] =	sst lr;
	_ =	strace $0xD0000000  }
0x3: {  	_ = 	snop  }
0x4: {  	_ = 	snop  }
0x5: {  	_ = 	snop  }
0x6: {  	_ = 	snop  }
0x7: {  	_ = 	snop  }
__scs_overlays_trampoline_lowered:
0x8: {  	[smem:$0x3FAC] =	sst s0  }
0x9: {  	[smem:$0x3FAD] =	sst s1  }
0xa: {  	[smem:$0x3FAE] =	sst s2  }
0xb: {  	[smem:$0x3FAF] =	sst s3  }
0xc: {  	[smem:$0x3FB0] =	sst s4  }
0xd: {  	[smem:$0x3FB1] =	sst s5  }
0xe: {  	[smem:$0x3FB2] =	sst s6  }
0xf: {  	[smem:$0x3FB3] =	sst s7  }
0x10: {  	[smem:$0x3FB4] =	sst s8  }
0x11: {  	[smem:$0x3FB5] =	sst s9;
	s0 =	simm.s32 @!p0 $0x0  }
0x12: {  	s1 =	sld [smem:$0x3F9B];
	s0 =	simm.s32 @p0 $0x1  }
0x13: {  	[smem:$0x3FB6] =	sst s0;
	s0 =	simm.s32 @!p1 $0x0  }
0x14: {  	s2 =	sld [smem:$0x3F9A];
	s0 =	simm.s32 @p1 $0x1  }
0x15: {  	[smem:$0x3FB7] =	sst s0;
	s0 =	simm.s32 @!p2 $0x0  }
0x16: {  	s3 =	sld [smem:$0x3FDB];
	s0 =	simm.s32 @p2 $0x1  }
0x17: {  	s4 =	simm.s32 $0x1BF5;
	[smem:$0x3FB9] =	sst s0  }
0x18: {  	s0 =	sld [smem:$0x3F9C];
	_ =	swait.ge [sflag:s4], $0x0  }
0x19: {  	s7 =	sld [smem:$0x3F9D]  }
0x1a: {  	s8 =	sadd.s32 $0xFFFFE003, lr  }
0x1b: {  	s9 =	sadd.s32 $0xFFFFFEF7, lr;
	s5 =	simm.s32 $0xFFFFFFFF;
	p2 =	slt.u32 s8, $0xFFFFF086  }
0x1c: {  	p1 =	slt.u32 s9, $0xF7A;
	s5 =	simm.s32 @!p2 $0x0  }
0x1d: {  	s5 =	simm.s32 @p1 $0x1;
	p0 =	seq.s32 s7, s2  }
0x1e: {  	s7 =	smul.u32 @!p0 $0xF7A, s2;
	p2 =	seq.s32 @!p0 s5, $0x0  }
0x1f: {  	s9 =	smul.u32 $0xF7A, s1;
	s8 =	simm.s32 @!p0 $0x1BF5;
	p2 =	por !p2, p0  }
0x20: {  	[sflag:s8] =	ssyncset.s32 @!p0 $0xFFFFF086;
	s6 =	sadd.s32 @!p0 s3, s7;
	s7 =	simm.s32 @!p0 $0x108  }
0x21: {  	s3 =	sadd.s32 s3, s9;
	s6 =	sadd.s32 @!p0 $0x88, s6;
	s7 =	simm.s32 @p2 $0x1082  }
0x22: {  	[simem:s7], [sflag:s8] =	dma.local @!p0 [hbm:s6], $0xF7A  }
0x23: {  	s9 =	sor.u32 $0xD0000000, s2;
	s6 =	simm.s32 $0x108;
	_ =	swait.ge @!p0 [sflag:s8], $0x0  }
0x24: {  	s3 =	sadd.s32 $0x88, s3;
	s6 =	simm.s32 @!p1 $0x1082;
	[sflag:s4] =	ssyncset.s32 $0xFFFFF086  }
0x25: {  	[simem:s6], [sflag:s4] =	dma.local [hbm:s3], $0xF7A  }
0x26: {  	[smem:$0x3F9D] =	sst s1;
	(tag) =	ssettag s2;
	_ =	strace s9  }
0x27: {  	s1 =	sld [smem:$0x3FAD]  }
0x28: {  	s2 =	sld [smem:$0x3FAE]  }
0x29: {  	s4 =	sld [smem:$0x3FB0]  }
0x2a: {  	p0 =	seq.s32 s5, $0x0;
	s5 =	sld [smem:$0x3FB1]  }
0x2b: {  	s6 =	sld [smem:$0x3FB2]  }
0x2c: {  	s7 =	sld [smem:$0x3FB3]  }
0x2d: {  	s3 =	simm.s32 $0x108;
	s8 =	sld [smem:$0x3FB4]  }
0x2e: {  	s3 =	simm.s32 @!p0 $0x1082;
	s9 =	sld [smem:$0x3FB5]  }
0x2f: {  	lr =	sadd.s32 s0, s3;
	s0 =	sld [smem:$0x3FAC]  }
0x30: {  	s3 =	sld [smem:$0x3FAF]  }
0x31: {  	[smem:$0x3FB8] =	sst s10  }
0x32: {  	s10 =	sld [smem:$0x3FB6];
	_ =	sdelay $0x3  }
0x33: {  	p0 =	seq.s32 s10, $0x1;
	s10 =	sld [smem:$0x3FB8];
	_ =	sdelay $0x3  }
0x34: {  	[smem:$0x3FB8] =	sst s10  }
0x35: {  	s10 =	sld [smem:$0x3FB7];
	_ =	sdelay $0x3  }
0x36: {  	p1 =	seq.s32 s10, $0x1;
	s10 =	sld [smem:$0x3FB8];
	_ =	sdelay $0x3  }
0x37: {  	[smem:$0x3FB8] =	sst s10  }
0x38: {  	s10 =	sld [smem:$0x3FB9]  }
0x39: {  	_ = 	snop;
	(pc) =	sbr.ind lr, $3  }
0x3a: {  	_ = 	snop  }
0x3b: {  	_ = 	snop  }
0x3c: {  	p2 =	seq.s32 s10, $0x1;
	s10 =	sld [smem:$0x3FB8]  }
0x3d: {  	_ =	shalt  }
0x3e: {  	_ =	shalt  }
0x3f: {  	_ =	shalt  }
0x40: {  	_ =	shalt  }
0x41: {  	_ =	shalt  }
0x42: {  	_ =	shalt  }
0x43: {  	_ =	shalt  }
0x44: {  	_ =	shalt  }
0x45: {  	_ =	shalt  }
0x46: {  	_ =	shalt  }
0x47: {  	_ =	shalt  }
0x48: {  	_ =	shalt  }
0x49: {  	_ =	shalt  }
0x4a: {  	_ =	shalt  }
0x4b: {  	_ =	shalt  }
0x4c: {  	_ =	shalt  }
0x4d: {  	_ =	shalt  }
0x4e: {  	_ =	shalt  }
0x4f: {  	_ =	shalt  }
0x50: {  	_ =	shalt  }
0x51: {  	_ =	shalt  }
0x52: {  	_ =	shalt  }
0x53: {  	_ =	shalt  }
0x54: {  	_ =	shalt  }
0x55: {  	_ =	shalt  }
0x56: {  	_ =	shalt  }
0x57: {  	_ =	shalt  }
0x58: {  	_ =	shalt  }
0x59: {  	_ =	shalt  }
0x5a: {  	_ =	shalt  }
0x5b: {  	_ =	shalt  }
0x5c: {  	_ =	shalt  }
0x5d: {  	_ =	shalt  }
0x5e: {  	_ =	shalt  }
0x5f: {  	_ =	shalt  }
0x60: {  	_ =	shalt  }
0x61: {  	_ =	shalt  }
0x62: {  	_ =	shalt  }
0x63: {  	_ =	shalt  }
0x64: {  	_ =	shalt  }
0x65: {  	_ =	shalt  }
0x66: {  	_ =	shalt  }
0x67: {  	_ =	shalt  }
0x68: {  	_ =	shalt  }
0x69: {  	_ =	shalt  }
0x6a: {  	_ =	shalt  }
0x6b: {  	_ =	shalt  }
0x6c: {  	_ =	shalt  }
0x6d: {  	_ =	shalt  }
0x6e: {  	_ =	shalt  }
0x6f: {  	_ =	shalt  }
0x70: {  	_ =	shalt  }
0x71: {  	_ =	shalt  }
0x72: {  	_ =	shalt  }
0x73: {  	_ =	shalt  }
0x74: {  	_ =	shalt  }
0x75: {  	_ =	shalt  }
0x76: {  	_ =	shalt  }
0x77: {  	_ =	shalt  }
0x78: {  	_ =	shalt  }
0x79: {  	_ =	shalt  }
0x7a: {  	_ =	shalt  }
0x7b: {  	_ =	shalt  }
0x7c: {  	_ =	shalt  }
0x7d: {  	_ =	shalt  }
0x7e: {  	_ =	shalt  }
0x7f: {  	_ =	shalt  }
0x80: {  	_ =	shalt  }
0x81: {  	_ =	shalt  }
0x82: {  	_ =	shalt  }
0x83: {  	_ =	shalt  }
0x84: {  	_ =	shalt  }
0x85: {  	_ =	shalt  }
0x86: {  	_ =	shalt  }
0x87: {  	_ =	shalt  }
.Lfunc_end0:
.L_simem_size_0:
called_computation.1_lowered:
.L_overlay_start_0:
0x88: {  	s2 =	sld [smem:$0x3FD9]  }
0x89: {  	s3 =	sld [smem:$0x3FFE];
	_ =	sdelay $0x1  }
0x8a: {  	s1 =	srdreg.scid  }
0x8b: {  	s0 =	sand.u32 $0x1, s1  }
0x8c: {  	s16 =	sshll.u32 s0, $0xA;
	s2 =	sadd.s32 s3, s2  }
0x8d: {  	s2 =	sadd.s32 s2, s16  }
0x8e: {  	[smem:$0x3FC4] =	sst s2  }
0x8f: {  	_ = 	snop  }
0x90: {  	(tm) =	ssettm $0x1  }
0x91: {  	s17 =	sld [smem:$0x3FFB];
	_ =	sdelay $0x3  }
0x92: {  	_ =	strace s17  }
0x93: {  	s2 =	sld [smem:$0x3FFC];
	_ =	sdelay $0x3  }
0x94: {  	_ =	strace s2  }
0x95: {  	s2 =	sld [smem:$0x3FFD];
	_ =	sdelay $0x3  }
0x96: {  	_ =	strace s2  }
0x97: {  	_ =	strace $0x8FFFFFFF  }
0x98: {  	s18 =	sld [smem:$0x3FDB];
	_ =	sdelay $0x1  }
0x99: {  	s19 =	simm.s32 $_scs_section_size  }
0x9a: {  	s4 =	simm.s32 $_size__tile_overlayer_lowered;
	s5 =	simm.s32 $_tile_overlayer_lowered  }
0x9b: {  	s22 =	simm.s32 $0x1BFF;
	s21 =	sshll.u32 s5, $0x1;
	s2 =	sadd.s32 s19, s18  }
0x9c: {  	s6 =	simm.s32 $0x0;
	s20 =	sshll.u32 s4, $0x1;
	s4 =	sadd.s32 s21, s2  }
0x9d: {  	[timem:s6], [sflag:s22] =	dma.local [hbm:s4], s20  }
0x9e: {  	_ =	swait.ge [sflag:s22], s20  }
0x9f: {  	s3 =	ssub.s32 $0x0, s20;
	[sflag:s22] =	ssyncset.done $0x0  }
0xa0: {  	[sflag:s22] =	ssyncadd.s32 s3;
	_ =	sdelay $0x1  }
0xa1: {  	s23 =	simm.s32 $0x1B8B  }
0xa2: {  	_ =	swait.ge [sflag:s23], $0x1  }
0xa3: {  	[sflag:s23] =	ssyncset.done $0x0  }
0xa4: {  	s25 =	simm.s32 $0x1B8E;
	s24 =	sld [smem:$0x3FFE];
	[sflag:s23] =	ssyncadd.s32 $0xFFFFFFFF  }
0xa5: {  	s26 =	simm.s32 $execute0_lowered;
	[smem:$0x3FD2] =	sst s25  }
0xa6: {  	s4 =	sshll.u32 s26, $0x1;
	_ =	strace $0x80000046;
	[dreg:$0x1] =	wrdreg $0xFFFFFFFF  }
0xa7: {  	s28 =	simm.s32 $_size_execute0_lowered;
	s2 =	sadd.s32 s2, s4;
	[dreg:$0x0] =	wrdreg $0x0  }
0xa8: {  	s4 =	sshll.u32 s28, $0x1;
	[dreg:$0x2] =	wrdreg s2  }
0xa9: {  	[dreg:$0x3] =	wrdreg s4  }
0xaa: {  	[dreg:$0x4] =	wrdreg $0xC0  }
0xab: {  	_ =	task [dreg:s6], $0x5FFFF  }
0xac: {  	[dreg:$0x1] =	wrdreg $0xFFFFFFFF  }
0xad: {  	[dreg:$0x0] =	wrdreg $0x60  }
0xae: {  	[dreg:$0x2] =	wrdreg s24  }
0xaf: {  	[dreg:$0x3] =	wrdreg $0xA  }
0xb0: {  	_ =	task.clear_ibuf [dreg:s6], $0x4FFFF;
	_ =	strace $0x90000046  }
0xb1: {  	s29 =	simm.s32 $0xA;
	_ =	strace $0x80000048  }
0xb2: {  	_ =	swait.ge [sflag:s29], $0x1  }
0xb3: {  	[sflag:s29] =	ssyncadd.s32 $0xFFFFFFFF  }
0xb4: {  	_ =	strace $0x90000048  }
0xb5: {  	_ =	sfence  }
0xb6: {  	s30 =	sld [smem:$0x0];
	_ =	sdelay $0x2  }
0xb7: {  	s31 =	sshll.u32 s1, $0xD;
	s1 =	sshrl.u32 s1, $0x2  }
0xb8: {  	s3 =	sand.u32 $0x4000, s31;
	s1 =	sadd.s32 s1, s30  }
0xb9: {  	s0 =	sor.u32 s3, s0;
	s1 =	sshll.u32 s1, $0x11  }
0xba: {  	s0 =	sor.u32 s1, s0  }
0xbb: {  	s0 =	sadd.s32 $0x8F2B, s0  }
0xbc: {  	[sflag:s0] =	ssyncadd.remote.s32 $0x1  }
0xbd: {  	_ =	sfence.sel $0xFFFF  }
0xbe: {  	[dreg:$0x0] =	wrdreg $0xFFFFFFFF;
	(pc) =	sbr.abs _section_cstart, $3  }
0xbf: {  	[dreg:$0x1] =	wrdreg $0xFFFFFFFF  }
0xc0: {  	_ =	task.clear_ibuf [dreg:s6], $0x2FFFF;
	_ =	strace $0x9FFFFFFF  }
0xc1: {  	(tm) =	ssettm $0x7FFFFFFF  }
tec
execute0_lowered:
.L_overlay_start_1:
0x0: {  	(tag) =	ssettag $0x1  }
0x1: {  	s12 =	rddreg [dreg:$0x0]  }
0x2: {  	s0 =	rddreg [dreg:$0x1]  }
0x3: {  	s3 =	srdreg.scid;
	s1 =	stileid.u32  }
0x4: {  	s2 =	simm.s32 $0x0;
	s8 =	sand.u32 $0x1, s3;
	s30 =	sshll.u32 s1, $0x1  }
0x5: {  	s4 =	simm.s32 $0x2;
	[smem:$0x7FF] =	sst s2;
	s9 =	sor.u32 s8, s30  }
0x6: {  	s3 =	sadd.s32 $0x4200, s12;
	_ =	strace $0x80000047;
	s5 =	smul.u32 $0xE, s9  }
0x7: {  	[tilespmem:s2], [sflag:$0x2] =	stream.linear.gather [hbm4b:s3+s2], $0x640, $0x38;
	[tilespmem:$0x2320] =	vst v63  }
0x8: {  	_ =	swait.ge [sflag:s4], $0x640  }
0x9: {  	s5 =	sadd.s32 s5, s12;
	[sflag:s4] =	ssyncset.done $0x0  }
0xa: {  	s6 =	simm.s32 $0x640;
	s5 =	sadd.s32 $0x4400, s5;
	[sflag:s4] =	ssyncadd.s32 $0xFFFFF9C0  }
0xb: {  	[tilespmem:s6], [sflag:$0x2] =	stream.linear.gather [hbm4b:s5+s2], $0x70, $0x38;
	[tilespmem:$0x2320] =	vst v63  }
0xc: {  	_ =	swait.ge [sflag:s4], $0x70  }
0xd: {  	[sflag:s4] =	ssyncset.done $0x0  }
0xe: {  	[sflag:s4] =	ssyncadd.s32 $0xFFFFFF90  }
0xf: {  	v0 =	vld [tilespmem:$0x640];
	_ =	sdelay $0x5  }
0x10: {  	v1 =	vld [tilespmem:$0x650];
	_ =	sdelay $0x1  }
0x11: {  	v0 =	vld.idx.msk [tilespmem:v0+s2+$0x0], $0xffff;
	_ =	sdelay $0x3  }
0x12: {  	v2 =	vld [tilespmem:$0x660]  }
0x13: {  	[tilespmem:$0x6B0] =	vst v0  }
0x14: {  	v0 =	vld.idx.msk [tilespmem:v1+s2+$0x0], $0xffff;
	_ =	sdelay $0x3  }
0x15: {  	v60 =	vld [tilespmem:$0x670]  }
0x16: {  	[tilespmem:$0x6C0] =	vst v0  }
0x17: {  	v0 =	vld.idx.msk [tilespmem:v2+s2+$0x0], $0xffff;
	_ =	sdelay $0x3  }
0x18: {  	v61 =	vld [tilespmem:$0x680]  }
0x19: {  	[tilespmem:$0x6D0] =	vst v0  }
0x1a: {  	v0 =	vld.idx.msk [tilespmem:v60+s2+$0x0], $0xffff;
	_ =	sdelay $0x3  }
0x1b: {  	v62 =	vld [tilespmem:$0x690]  }
0x1c: {  	[tilespmem:$0x6E0] =	vst v0  }
0x1d: {  	v0 =	vld.idx.msk [tilespmem:v61+s2+$0x0], $0xffff;
	_ =	sdelay $0x3  }
0x1e: {  	v63 =	vld [tilespmem:$0x6A0]  }
0x1f: {  	[tilespmem:$0x6F0] =	vst v0  }
0x20: {  	v0 =	vld.idx.msk [tilespmem:v62+s2+$0x0], $0xffff;
	_ =	sdelay $0x4  }
0x21: {  	[tilespmem:$0x700] =	vst v0  }
0x22: {  	v0 =	vld.idx.msk [tilespmem:v63+s2+$0x0], $0xffff;
	_ =	sdelay $0x1  }
0x23: {  	s10 =	simm.s32 $0x720;
	s14 =	ssub.s32 $0x2, s8  }
0x24: {  	s11 =	simm.s32 $0x1;
	s13 =	smul.u32 $0x380, s9;
	s15 =	sshrl.u32 s14, $0x1  }
0x25: {  	s7 =	sadd.s32 $0x18AC00, s12;
	s8 =	simm.s32 $0x70;
	s31 =	ssub.s32 s14, s15  }
0x26: {  	s9 =	simm.s32 $0x6B0;
	s12 =	sadd.s32 s13, s12;
	s13 =	smax.u32 s31, $0x1;
	[tilespmem:$0x710] =	vst v0  }
0x27: {  	[tilespmem:s10], [sflag:$0x1] =	stream.indirect.gather [hbm4b:s7+s8], $0x40, s9, s8, $0xb8;
	[tilespmem:$0x2320] =	vst v63  }
0x28: {  	p0 =	sne.s32 s13, $0x1;
	_ =	swait.ge [sflag:s11], $0x1C00  }
.Ltmp0:
0x29: {  	[sflag:s11] =	ssyncset.done $0x0;
	(pc) =	sbr.rel @!p0 .LBB2_2-.Ltmp0, $4  }
0x2a: {  	s12 =	sadd.s32 $0x4600, s12;
	[sflag:s11] =	ssyncadd.s32 $0xFFFFE400  }
0x2b: {  	[hbm4b:s12+s2] =	stream.linear.scatter [tilespmem:s10], [sflag:$0x2], $0x1C00, $0x38;
	[tilespmem:$0x2320] =	vst v63  }
0x2c: {  	_ =	swait.ge [sflag:s4], $0x1C00  }
0x2d: {  	s13 =	sadd.s32 $0xFFFFFFFF, s13;
	[sflag:s4] =	ssyncset.done $0x0  }
.LBB2_1:
0x2e: {  	p0 =	sne.s32 s13, $0x1;
	s13 =	sadd.s32 $0xFFFFFFFF, s13;
	[sflag:s4] =	ssyncadd.s32 $0xFFFFE400  }
0x2f: {  	[tilespmem:s2], [sflag:$0x2] =	stream.linear.gather [hbm4b:s3+s2], $0x640, $0x38;
	[tilespmem:$0x2320] =	vst v63  }
0x30: {  	_ =	swait.ge [sflag:s4], $0x640  }
0x31: {  	[sflag:s4] =	ssyncset.done $0x0  }
0x32: {  	[sflag:s4] =	ssyncadd.s32 $0xFFFFF9C0  }
0x33: {  	[tilespmem:s6], [sflag:$0x2] =	stream.linear.gather [hbm4b:s5+s2], $0x70, $0x38;
	[tilespmem:$0x2320] =	vst v63  }
0x34: {  	_ =	swait.ge [sflag:s4], $0x70  }
0x35: {  	[sflag:s4] =	ssyncset.done $0x0  }
0x36: {  	[sflag:s4] =	ssyncadd.s32 $0xFFFFFF90  }
0x37: {  	v0 =	vld [tilespmem:$0x640];
	_ =	sdelay $0x6  }
0x38: {  	v1 =	vld [tilespmem:$0x650]  }
0x39: {  	v0 =	vld.idx.msk [tilespmem:v0+s2+$0x0], $0xffff;
	_ =	sdelay $0x5  }
0x3a: {  	[tilespmem:$0x6B0] =	vst v0;
	v0 =	vld [tilespmem:$0x660]  }
0x3b: {  	v1 =	vld.idx.msk [tilespmem:v1+s2+$0x0], $0xffff;
	_ =	sdelay $0x5  }
0x3c: {  	[tilespmem:$0x6C0] =	vst v1;
	v1 =	vld [tilespmem:$0x670]  }
0x3d: {  	v0 =	vld.idx.msk [tilespmem:v0+s2+$0x0], $0xffff;
	_ =	sdelay $0x5  }
0x3e: {  	[tilespmem:$0x6D0] =	vst v0;
	v0 =	vld [tilespmem:$0x680]  }
0x3f: {  	v1 =	vld.idx.msk [tilespmem:v1+s2+$0x0], $0xffff;
	_ =	sdelay $0x5  }
0x40: {  	[tilespmem:$0x6E0] =	vst v1;
	v1 =	vld [tilespmem:$0x690]  }
0x41: {  	v0 =	vld.idx.msk [tilespmem:v0+s2+$0x0], $0xffff;
	_ =	sdelay $0x5  }
0x42: {  	[tilespmem:$0x6F0] =	vst v0;
	v0 =	vld [tilespmem:$0x6A0]  }
0x43: {  	v1 =	vld.idx.msk [tilespmem:v1+s2+$0x0], $0xffff;
	_ =	sdelay $0x5  }
0x44: {  	[tilespmem:$0x700] =	vst v1  }
0x45: {  	v0 =	vld.idx.msk [tilespmem:v0+s2+$0x0], $0xffff;
	_ =	sdelay $0x5  }
0x46: {  	[tilespmem:$0x710] =	vst v0  }
0x47: {  	[tilespmem:s10], [sflag:$0x1] =	stream.indirect.gather [hbm4b:s7+s8], $0x40, s9, s8, $0xb8;
	[tilespmem:$0x2320] =	vst v63  }
0x48: {  	_ =	swait.ge [sflag:s11], $0x1C00  }
.Ltmp1:
0x49: {  	[sflag:s11] =	ssyncset.done $0x0;
	(pc) =	sbr.rel @p0 .LBB2_1-.Ltmp1, $4  }
0x4a: {  	[sflag:s11] =	ssyncadd.s32 $0xFFFFE400  }
0x4b: {  	[hbm4b:s12+s2] =	stream.linear.scatter [tilespmem:s10], [sflag:$0x2], $0x1C00, $0x38;
	[tilespmem:$0x2320] =	vst v63  }
0x4c: {  	_ =	swait.ge [sflag:s4], $0x1C00  }
0x4d: {  	[sflag:s4] =	ssyncset.done $0x0  }
.LBB2_2:
0x4e: {  	[sflag:s4] =	ssyncadd.s32 $0xFFFFE400  }
0x4f: {  	_ =	sfence.sel $0x180000  }
0x50: {  	[bflag:$0x0] =	sbarrier.arrive $0xFFFF  }
0x51: {  	p0 =	sne.s32 s1, $0x0;
	_ =	strace $0x90000047  }
0x52: {  	s0 =	sadd.s32 @!p0 $0x100000, s0;
	[bflag:$0x2] =	sbarrier.arrive $0xFFFF  }
0x53: {  	[sflag:s0] =	ssyncadd.tile.s32 @!p0 $0x1;
	_ =	shalt  }
.Lfunc_end2:
_tile_overlayer_lowered:
.L_overlay_start_2:
0x54: {  	(tag) =	ssettag $0x2  }
0x55: {  	s0 =	rddreg [dreg:$0x0];
	s2 =	stileid.u32  }
0x56: {  	s1 =	rddreg [dreg:$0x1];
	p0 =	sne.s32 s2, $0x0  }
0x57: {  	s3 =	rddreg [dreg:$0x2];
	[bflag:$0x3] =	sbarrier.arrive $0xFFFF;
	s2 =	simm.s32 @!p0 $0x1C02  }
0x58: {  	[timem:s3], [sflag:s2] =	dma.local @!p0 [hbm:s0], s1  }
0x59: {  	s0 =	simm.s32 @!p0 $0x2  }
0x5a: {  	_ =	swait.ge @!p0 [sflag:s0], s1  }
0x5b: {  	s1 =	ssub.s32 @!p0 $0x0, s1;
	[sflag:s0] =	ssyncset.done @!p0 $0x0  }
0x5c: {  	[sflag:s0] =	ssyncadd.s32 @!p0 s1  }
0x5d: {  	[bflag:$0x3] =	sbarrier.arrive $0xFFFF  }
0x5e: {  	_ =	shalt  }

</sc_bundles>
